<compile_context>
chip_gen: v7x
topology: tpu7x:2x2x1
jax: 0.10.2.dev20260603
libtpu: 0.0.44.dev20260713+nightly
codegen_flags: <defaults>
</compile_context>

<pallas_src>
import jax
import jax.numpy as jnp
from jax import lax
from jax.experimental import pallas as pl
from jax.experimental.pallas import tpu as pltpu
from jax.experimental.pallas import tpu_sc as plsc

_N_CLS = 1024
_SEQ = 77
_N_CTX = 16
_CTX_DIM = 512
_NUM_CORES = 2
_NUM_SUBCORES = 16
_NW = _NUM_CORES * _NUM_SUBCORES
_CHUNK = 32
_NCHUNK = _N_CLS // _CHUNK
_NPOS = _SEQ - _N_CTX
_NGU = _NPOS * _NCHUNK
_NU = _NGU // _NW
_NBUF = 6
_AHEAD = 2
_CTX_ROWS = 32
_NCTXST = _N_CLS // 2 // _CTX_ROWS

assert _NGU % _NW == 0


def _assemble_body(tokg_hbm, ctx32_hbm, table_hbm, out_hbm, *scratch):
    stages = scratch[:_NBUF]
    ctx_rep = scratch[_NBUF]
    idx_all = scratch[_NBUF + 1]
    gsems = scratch[_NBUF + 2:2 * _NBUF + 2]
    ssems = scratch[2 * _NBUF + 2:3 * _NBUF + 2]
    csem = scratch[3 * _NBUF + 2]

    wid = lax.axis_index("s") * _NUM_CORES + lax.axis_index("c")
    base = wid * _NU

    def unit_out(u):
        q = u // _NCHUNK
        t = jnp.where(q == 0, 0, q + _N_CTX)
        c0 = (u % _NCHUNK) * _CHUNK
        return t, c0

    def fire_gather(i, k):
        pltpu.async_copy(
            table_hbm.at[idx_all.at[pl.ds(i * _CHUNK, _CHUNK)]],
            stages[k], gsems[k])

    def wait_gather(k):
        pltpu.make_async_copy(
            table_hbm.at[pl.ds(0, _CHUNK)], stages[k], gsems[k]).wait()

    def fire_store(i, k):
        t, c0 = unit_out(base + i)
        pltpu.async_copy(
            stages[k], out_hbm.at[t, pl.ds(c0, _CHUNK)], ssems[k])

    def wait_store(k):
        pltpu.make_async_copy(
            stages[k], out_hbm.at[0, pl.ds(0, _CHUNK)], ssems[k]).wait()

    pltpu.sync_copy(tokg_hbm.at[pl.ds(base * _CHUNK, _NU * _CHUNK)], idx_all)
    for k in range(_AHEAD):
        fire_gather(k, k)

    tctx = wid // 2
    cbase = (wid % 2) * (_N_CLS // 2)
    pltpu.sync_copy(
        ctx32_hbm.at[pl.ds(tctx * _CTX_ROWS, _CTX_ROWS)], ctx_rep)
    for k in range(_NCTXST):
        pltpu.async_copy(
            ctx_rep,
            out_hbm.at[tctx + 1, pl.ds(cbase + k * _CTX_ROWS, _CTX_ROWS)],
            csem)

    def body(ip, carry):
        for k in range(_NBUF):
            u = _NBUF * ip + k

            @pl.when(u + _AHEAD < _NU)
            def _(u=u, k=k):
                kn = (k + _AHEAD) % _NBUF
                if k >= _NBUF - _AHEAD:
                    wait_store(kn)
                else:
                    @pl.when(ip > 0)
                    def _():
                        wait_store(kn)
                fire_gather(u + _AHEAD, kn)

            @pl.when(u < _NU)
            def _(u=u, k=k):
                wait_gather(k)
                fire_store(u, k)
        return carry

    lax.fori_loop(0, -(-_NU // _NBUF), body, 0)
    for k in range(_NBUF):
        wait_store(k)
    for _k in range(_NCTXST):
        pltpu.make_async_copy(
            ctx_rep, out_hbm.at[0, pl.ds(0, _CTX_ROWS)], csem).wait()


@jax.jit
def _assemble(tokg, ctx32, token_embedding):
    mesh = plsc.VectorSubcoreMesh(
        core_axis_name="c", subcore_axis_name="s",
        num_cores=_NUM_CORES, num_subcores=_NUM_SUBCORES)
    return pl.kernel(
        _assemble_body,
        out_type=jax.ShapeDtypeStruct((_SEQ, _N_CLS, _CTX_DIM), jnp.float32),
        mesh=mesh,
        scratch_types=(
            [pltpu.VMEM((_CHUNK, _CTX_DIM), jnp.float32)] * _NBUF
            + [pltpu.VMEM((_CTX_ROWS, _CTX_DIM), jnp.float32),
               pltpu.VMEM((_NU * _CHUNK,), jnp.int32)]
            + [pltpu.SemaphoreType.DMA] * (2 * _NBUF + 1)
        ),
        compiler_params=pltpu.CompilerParams(use_tc_tiling_on_sc=True),
    )(tokg, ctx32, token_embedding)


def kernel(tokenized_prompts, ctx, token_embedding):
    tokt = tokenized_prompts.T
    tokg = jnp.concatenate([tokt[:1], tokt[1 + _N_CTX:]], axis=0).reshape(-1)
    ctx32 = jnp.repeat(ctx, _CTX_ROWS, axis=0)
    out = _assemble(tokg, ctx32, token_embedding)
    return jnp.transpose(out, (1, 0, 2)), tokenized_prompts

# --- scband reference (transcript-rebuilt; emitter-appended) ---
"""Pipeline reference for scband-prompt-learner-91276644974964 (READ-ONLY COPY).

The authoritative reference and input builder live on the scoring server;
editing this copy changes nothing except your own understanding.
"""

import jax, jax.numpy as jnp
import numpy as np

N_CLS = 1024
SEQ = 77
VOCAB = 49408
CTX_DIM = 512
N_CTX = 16

def setup_inputs(seed: int = 0) -> dict:
    key = jax.random.key(seed)
    k1, k2, k3 = jax.random.split(key, 3)
    tokenized_prompts = jax.random.randint(k1, (N_CLS, SEQ), 0, VOCAB, dtype=jnp.int64 if jax.config.jax_enable_x64 else jnp.int32).astype(jnp.int32)
    ctx = jax.random.normal(k2, (N_CTX, CTX_DIM), dtype=jnp.float32) * 0.02
    token_embedding = jax.random.normal(k3, (VOCAB, CTX_DIM), dtype=jnp.float32) * 0.02
    return {"tokenized_prompts": tokenized_prompts, "ctx": ctx, "token_embedding": token_embedding}

def reference(tokenized_prompts, ctx, token_embedding):
    # embedding lookup: clip_model.token_embedding(tokenized_prompts)
    embedding = jnp.take(token_embedding, tokenized_prompts, axis=0)  # [n_cls, 77, ctx_dim]
    n_cls = embedding.shape[0]
    # ctx.dim() == 2 -> expand to [n_cls, n_ctx, ctx_dim]
    ctx_e = jnp.broadcast_to(ctx[None, :, :], (n_cls, ctx.shape[0], ctx.shape[1]))
    prefix = embedding[:, :1, :]              # SOS token embedding
    suffix = embedding[:, 1 + N_CTX:, :]      # class tokens + EOS + padding
    # class_token_position == 'end'
    prompts = jnp.concatenate([prefix, ctx_e, suffix], axis=1)  # [n_cls, 77, ctx_dim]
    return prompts, tokenized_prompts

if __name__ == "__main__":
    import jax
    _d = setup_inputs()
    print(jax.jit(kernel)(*tuple(_d.values())))

</pallas_src>

<mosaic_0001>
#map = affine_map<(d0, d1) -> (0)>
#map1 = affine_map<(d0, d1) -> (0, 0)>
#map2 = affine_map<(d0, d1) -> (0, 0, 0)>
module attributes {stable_mosaic.version = 14 : i64} {
  func.func @_assemble_body(%arg0: i32, %arg1: i32, %arg2: memref<62464xi32, #tpu.memory_space<hbm>>, %arg3: memref<512x512xf32, #tpu.memory_space<hbm>>, %arg4: memref<49408x512xf32, #tpu.memory_space<hbm>>, %arg5: memref<77x1024x512xf32, #tpu.memory_space<hbm>>, %arg6: memref<32x512xf32, #tpu.memory_space<vmem>>, %arg7: memref<32x512xf32, #tpu.memory_space<vmem>>, %arg8: memref<32x512xf32, #tpu.memory_space<vmem>>, %arg9: memref<32x512xf32, #tpu.memory_space<vmem>>, %arg10: memref<32x512xf32, #tpu.memory_space<vmem>>, %arg11: memref<32x512xf32, #tpu.memory_space<vmem>>, %arg12: memref<32x512xf32, #tpu.memory_space<vmem>>, %arg13: memref<1952xi32, #tpu.memory_space<vmem>>, %arg14: memref<!tpu.dma_semaphore, #tpu.memory_space<semaphore_mem>>, %arg15: memref<!tpu.dma_semaphore, #tpu.memory_space<semaphore_mem>>, %arg16: memref<!tpu.dma_semaphore, #tpu.memory_space<semaphore_mem>>, %arg17: memref<!tpu.dma_semaphore, #tpu.memory_space<semaphore_mem>>, %arg18: memref<!tpu.dma_semaphore, #tpu.memory_space<semaphore_mem>>, %arg19: memref<!tpu.dma_semaphore, #tpu.memory_space<semaphore_mem>>, %arg20: memref<!tpu.dma_semaphore, #tpu.memory_space<semaphore_mem>>, %arg21: memref<!tpu.dma_semaphore, #tpu.memory_space<semaphore_mem>>, %arg22: memref<!tpu.dma_semaphore, #tpu.memory_space<semaphore_mem>>, %arg23: memref<!tpu.dma_semaphore, #tpu.memory_space<semaphore_mem>>, %arg24: memref<!tpu.dma_semaphore, #tpu.memory_space<semaphore_mem>>, %arg25: memref<!tpu.dma_semaphore, #tpu.memory_space<semaphore_mem>>, %arg26: memref<!tpu.dma_semaphore, #tpu.memory_space<semaphore_mem>>) attributes {dimension_semantics = [#tpu.dimension_semantics<core_parallel>, #tpu.dimension_semantics<subcore_parallel>], iteration_bounds = array<i64: 2, 16>, scalar_prefetch = 0 : i64, scratch_operands = 21 : i64, tpu.core_type = #tpu.core_type<sc_vector_subcore>, window_params = [{transform_indices = #map}, {transform_indices = #map1}, {transform_indices = #map1}, {transform_indices = #map2}]} {
    %mul3A = arith.constant 2 : i32
    %mul3A_0 = arith.muli %arg1, %mul3A : i32
    %add3A = arith.addi %mul3A_0, %arg0 : i32
    %mul3A_1 = arith.constant 61 : i32
    %mul3A_2 = arith.muli %add3A, %mul3A_1 : i32
    %mul3A_3 = arith.constant 32 : i32
    %mul3A_4 = arith.muli %mul3A_2, %mul3A_3 : i32
    "tpu.region"() ({
      %run_scoped3A = tpu.sem_alloc : memref<!tpu.dma_semaphore, #tpu.memory_space<semaphore_mem>>
      %dma_start3A_410 = tpu.memref_slice %arg2[%mul3A_4] : memref<62464xi32, #tpu.memory_space<hbm>> -> memref<1952xi32, #tpu.memory_space<hbm>>
      %dma_start3A_411 = tpu.memref_slice %arg2[%mul3A_4] : memref<62464xi32, #tpu.memory_space<hbm>> -> memref<1952xi32, #tpu.memory_space<hbm>>
      tpu.enqueue_dma source(%dma_start3A_411 : memref<1952xi32, #tpu.memory_space<hbm>>) target(%arg13 : memref<1952xi32, #tpu.memory_space<vmem>>) target_semaphore(%run_scoped3A : memref<!tpu.dma_semaphore, #tpu.memory_space<semaphore_mem>>)
      %dma_wait3A_412 = tpu.memref_slice %arg2[%mul3A_4] : memref<62464xi32, #tpu.memory_space<hbm>> -> memref<1952xi32, #tpu.memory_space<hbm>>
      %dma_wait3A_413 = tpu.memref_slice %arg2[%mul3A_4] : memref<62464xi32, #tpu.memory_space<hbm>> -> memref<1952xi32, #tpu.memory_space<hbm>>
      tpu.wait_dma2 semaphore(%run_scoped3A : memref<!tpu.dma_semaphore, #tpu.memory_space<semaphore_mem>>) src(%dma_wait3A_413 : memref<1952xi32, #tpu.memory_space<hbm>>) dst(%arg13 : memref<1952xi32, #tpu.memory_space<vmem>>)
      tpu.yield
    }) : () -> ()
    %dma_start3A = arith.constant 0 : i32
    %dma_start3A_5 = tpu.memref_slice %arg13[%dma_start3A] : memref<1952xi32, #tpu.memory_space<vmem>> -> memref<32xi32, #tpu.memory_space<vmem>>
    %dma_start3A_6 = arith.constant 0 : i32
    %dma_start3A_7 = arith.constant 0 : i32
    %dma_start3A_8 = tpu.memref_slice %arg4[%dma_start3A_6, %dma_start3A_7] : memref<49408x512xf32, #tpu.memory_space<hbm>> -> memref<49408x512xf32, #tpu.memory_space<hbm>>
    tpu.enqueue_indirect_dma source(%dma_start3A_8 : memref<49408x512xf32, #tpu.memory_space<hbm>>) target(%arg6 : memref<32x512xf32, #tpu.memory_space<vmem>>) offsets(%dma_start3A_5 : memref<32xi32, #tpu.memory_space<vmem>>) semaphore(%arg14 : memref<!tpu.dma_semaphore, #tpu.memory_space<semaphore_mem>>)
    %dma_start3A_9 = arith.constant 32 : i32
    %dma_start3A_10 = tpu.memref_slice %arg13[%dma_start3A_9] : memref<1952xi32, #tpu.memory_space<vmem>> -> memref<32xi32, #tpu.memory_space<vmem>>
    %dma_start3A_11 = arith.constant 0 : i32
    %dma_start3A_12 = arith.constant 0 : i32
    %dma_start3A_13 = tpu.memref_slice %arg4[%dma_start3A_11, %dma_start3A_12] : memref<49408x512xf32, #tpu.memory_space<hbm>> -> memref<49408x512xf32, #tpu.memory_space<hbm>>
    tpu.enqueue_indirect_dma source(%dma_start3A_13 : memref<49408x512xf32, #tpu.memory_space<hbm>>) target(%arg7 : memref<32x512xf32, #tpu.memory_space<vmem>>) offsets(%dma_start3A_10 : memref<32xi32, #tpu.memory_space<vmem>>) semaphore(%arg15 : memref<!tpu.dma_semaphore, #tpu.memory_space<semaphore_mem>>)
    %jit3A = arith.constant 2 : i32
    %div3A = arith.divsi %add3A, %jit3A : i32
    %sign3A = arith.constant 0 : i32
    %sign3A_14 = arith.cmpi sgt, %add3A, %sign3A : i32
    %sign3A_15 = arith.extui %sign3A_14 : i1 to i32
    %sign3A_16 = arith.constant 0 : i32
    %sign3A_17 = arith.cmpi slt, %add3A, %sign3A_16 : i32
    %sign3A_18 = arith.extui %sign3A_17 : i1 to i32
    %sign3A_19 = arith.subi %sign3A_15, %sign3A_18 : i32
    %sign3A_20 = arith.constant 0 : i32
    %sign3A_21 = arith.cmpi sgt, %jit3A, %sign3A_20 : i32
    %sign3A_22 = arith.extui %sign3A_21 : i1 to i32
    %sign3A_23 = arith.constant 0 : i32
    %sign3A_24 = arith.cmpi slt, %jit3A, %sign3A_23 : i32
    %sign3A_25 = arith.extui %sign3A_24 : i1 to i32
    %sign3A_26 = arith.subi %sign3A_22, %sign3A_25 : i32
    %ne3A = arith.cmpi ne, %sign3A_19, %sign3A_26 : i32
    %rem3A = arith.remsi %add3A, %jit3A : i32
    %ne3A_27 = arith.constant 0 : i32
    %ne3A_28 = arith.cmpi ne, %rem3A, %ne3A_27 : i32
    %and3A = arith.andi %ne3A, %ne3A_28 : i1
    %sub3A = arith.constant 1 : i32
    %sub3A_29 = arith.subi %div3A, %sub3A : i32
    %select_n3A = arith.select %and3A, %sub3A_29, %div3A : i32
    %jit3A_30 = arith.constant 2 : i32
    %eq3A = arith.constant 0 : i32
    %eq3A_31 = arith.cmpi eq, %jit3A_30, %eq3A : i32
    %jit3A_32 = arith.constant 1 : i32
    %select_n3A_33 = arith.select %eq3A_31, %jit3A_32, %jit3A_30 : i32
    %rem3A_34 = arith.remsi %add3A, %select_n3A_33 : i32
    %ne3A_35 = arith.constant 0 : i32
    %ne3A_36 = arith.cmpi ne, %rem3A_34, %ne3A_35 : i32
    %lt3A = arith.constant 0 : i32
    %lt3A_37 = arith.cmpi slt, %rem3A_34, %lt3A : i32
    %lt3A_38 = arith.constant 0 : i32
    %lt3A_39 = arith.cmpi slt, %select_n3A_33, %lt3A_38 : i32
    %ne3A_40 = arith.xori %lt3A_37, %lt3A_39 : i1
    %and3A_41 = arith.andi %ne3A_40, %ne3A_36 : i1
    %add3A_42 = arith.addi %rem3A_34, %select_n3A_33 : i32
    %select_n3A_43 = arith.select %and3A_41, %add3A_42, %rem3A_34 : i32
    %mul3A_44 = arith.constant 512 : i32
    %mul3A_45 = arith.muli %select_n3A_43, %mul3A_44 : i32
    %mul3A_46 = arith.constant 32 : i32
    %mul3A_47 = arith.muli %select_n3A, %mul3A_46 : i32
    "tpu.region"() ({
      %run_scoped3A = tpu.sem_alloc : memref<!tpu.dma_semaphore, #tpu.memory_space<semaphore_mem>>
      %dma_start3A_410 = arith.constant 0 : i32
      %dma_start3A_411 = tpu.memref_slice %arg3[%mul3A_47, %dma_start3A_410] : memref<512x512xf32, #tpu.memory_space<hbm>> -> memref<32x512xf32, #tpu.memory_space<hbm>>
      %dma_start3A_412 = arith.constant 0 : i32
      %dma_start3A_413 = tpu.memref_slice %arg3[%mul3A_47, %dma_start3A_412] : memref<512x512xf32, #tpu.memory_space<hbm>> -> memref<32x512xf32, #tpu.memory_space<hbm>>
      tpu.enqueue_dma source(%dma_start3A_413 : memref<32x512xf32, #tpu.memory_space<hbm>>) target(%arg12 : memref<32x512xf32, #tpu.memory_space<vmem>>) target_semaphore(%run_scoped3A : memref<!tpu.dma_semaphore, #tpu.memory_space<semaphore_mem>>)
      %dma_wait3A_414 = arith.constant 0 : i32
      %dma_wait3A_415 = tpu.memref_slice %arg3[%mul3A_47, %dma_wait3A_414] : memref<512x512xf32, #tpu.memory_space<hbm>> -> memref<32x512xf32, #tpu.memory_space<hbm>>
      %dma_wait3A_416 = arith.constant 0 : i32
      %dma_wait3A_417 = tpu.memref_slice %arg3[%mul3A_47, %dma_wait3A_416] : memref<512x512xf32, #tpu.memory_space<hbm>> -> memref<32x512xf32, #tpu.memory_space<hbm>>
      tpu.wait_dma2 semaphore(%run_scoped3A : memref<!tpu.dma_semaphore, #tpu.memory_space<semaphore_mem>>) src(%dma_wait3A_417 : memref<32x512xf32, #tpu.memory_space<hbm>>) dst(%arg12 : memref<32x512xf32, #tpu.memory_space<vmem>>)
      tpu.yield
    }) : () -> ()
    %add3A_48 = arith.constant 1 : i32
    %add3A_49 = arith.addi %select_n3A, %add3A_48 : i32
    %add3A_50 = arith.constant 0 : i32
    %add3A_51 = arith.addi %mul3A_45, %add3A_50 : i32
    %dma_start3A_52 = arith.constant 0 : i32
    %dma_start3A_53 = tpu.memref_slice %arg5[%add3A_49, %add3A_51, %dma_start3A_52] : memref<77x1024x512xf32, #tpu.memory_space<hbm>> -> memref<1x32x512xf32, #tpu.memory_space<hbm>>
    %dma_start3A_54 = tpu.memref_squeeze %dma_start3A_53 : memref<1x32x512xf32, #tpu.memory_space<hbm>> -> memref<32x512xf32, #tpu.memory_space<hbm>>
    %dma_start3A_55 = arith.constant 0 : i32
    %dma_start3A_56 = tpu.memref_slice %arg5[%add3A_49, %add3A_51, %dma_start3A_55] : memref<77x1024x512xf32, #tpu.memory_space<hbm>> -> memref<1x32x512xf32, #tpu.memory_space<hbm>>
    %dma_start3A_57 = tpu.memref_squeeze %dma_start3A_56 : memref<1x32x512xf32, #tpu.memory_space<hbm>> -> memref<32x512xf32, #tpu.memory_space<hbm>>
    tpu.enqueue_dma source(%arg12 : memref<32x512xf32, #tpu.memory_space<vmem>>) target(%dma_start3A_57 : memref<32x512xf32, #tpu.memory_space<hbm>>) target_semaphore(%arg26 : memref<!tpu.dma_semaphore, #tpu.memory_space<semaphore_mem>>)
    %add3A_58 = arith.constant 1 : i32
    %add3A_59 = arith.addi %select_n3A, %add3A_58 : i32
    %add3A_60 = arith.constant 32 : i32
    %add3A_61 = arith.addi %mul3A_45, %add3A_60 : i32
    %dma_start3A_62 = arith.constant 0 : i32
    %dma_start3A_63 = tpu.memref_slice %arg5[%add3A_59, %add3A_61, %dma_start3A_62] : memref<77x1024x512xf32, #tpu.memory_space<hbm>> -> memref<1x32x512xf32, #tpu.memory_space<hbm>>
    %dma_start3A_64 = tpu.memref_squeeze %dma_start3A_63 : memref<1x32x512xf32, #tpu.memory_space<hbm>> -> memref<32x512xf32, #tpu.memory_space<hbm>>
    %dma_start3A_65 = arith.constant 0 : i32
    %dma_start3A_66 = tpu.memref_slice %arg5[%add3A_59, %add3A_61, %dma_start3A_65] : memref<77x1024x512xf32, #tpu.memory_space<hbm>> -> memref<1x32x512xf32, #tpu.memory_space<hbm>>
    %dma_start3A_67 = tpu.memref_squeeze %dma_start3A_66 : memref<1x32x512xf32, #tpu.memory_space<hbm>> -> memref<32x512xf32, #tpu.memory_space<hbm>>
    tpu.enqueue_dma source(%arg12 : memref<32x512xf32, #tpu.memory_space<vmem>>) target(%dma_start3A_67 : memref<32x512xf32, #tpu.memory_space<hbm>>) target_semaphore(%arg26 : memref<!tpu.dma_semaphore, #tpu.memory_space<semaphore_mem>>)
    %add3A_68 = arith.constant 1 : i32
    %add3A_69 = arith.addi %select_n3A, %add3A_68 : i32
    %add3A_70 = arith.constant 64 : i32
    %add3A_71 = arith.addi %mul3A_45, %add3A_70 : i32
    %dma_start3A_72 = arith.constant 0 : i32
    %dma_start3A_73 = tpu.memref_slice %arg5[%add3A_69, %add3A_71, %dma_start3A_72] : memref<77x1024x512xf32, #tpu.memory_space<hbm>> -> memref<1x32x512xf32, #tpu.memory_space<hbm>>
    %dma_start3A_74 = tpu.memref_squeeze %dma_start3A_73 : memref<1x32x512xf32, #tpu.memory_space<hbm>> -> memref<32x512xf32, #tpu.memory_space<hbm>>
    %dma_start3A_75 = arith.constant 0 : i32
    %dma_start3A_76 = tpu.memref_slice %arg5[%add3A_69, %add3A_71, %dma_start3A_75] : memref<77x1024x512xf32, #tpu.memory_space<hbm>> -> memref<1x32x512xf32, #tpu.memory_space<hbm>>
    %dma_start3A_77 = tpu.memref_squeeze %dma_start3A_76 : memref<1x32x512xf32, #tpu.memory_space<hbm>> -> memref<32x512xf32, #tpu.memory_space<hbm>>
    tpu.enqueue_dma source(%arg12 : memref<32x512xf32, #tpu.memory_space<vmem>>) target(%dma_start3A_77 : memref<32x512xf32, #tpu.memory_space<hbm>>) target_semaphore(%arg26 : memref<!tpu.dma_semaphore, #tpu.memory_space<semaphore_mem>>)
    %add3A_78 = arith.constant 1 : i32
    %add3A_79 = arith.addi %select_n3A, %add3A_78 : i32
    %add3A_80 = arith.constant 96 : i32
    %add3A_81 = arith.addi %mul3A_45, %add3A_80 : i32
    %dma_start3A_82 = arith.constant 0 : i32
    %dma_start3A_83 = tpu.memref_slice %arg5[%add3A_79, %add3A_81, %dma_start3A_82] : memref<77x1024x512xf32, #tpu.memory_space<hbm>> -> memref<1x32x512xf32, #tpu.memory_space<hbm>>
    %dma_start3A_84 = tpu.memref_squeeze %dma_start3A_83 : memref<1x32x512xf32, #tpu.memory_space<hbm>> -> memref<32x512xf32, #tpu.memory_space<hbm>>
    %dma_start3A_85 = arith.constant 0 : i32
    %dma_start3A_86 = tpu.memref_slice %arg5[%add3A_79, %add3A_81, %dma_start3A_85] : memref<77x1024x512xf32, #tpu.memory_space<hbm>> -> memref<1x32x512xf32, #tpu.memory_space<hbm>>
    %dma_start3A_87 = tpu.memref_squeeze %dma_start3A_86 : memref<1x32x512xf32, #tpu.memory_space<hbm>> -> memref<32x512xf32, #tpu.memory_space<hbm>>
    tpu.enqueue_dma source(%arg12 : memref<32x512xf32, #tpu.memory_space<vmem>>) target(%dma_start3A_87 : memref<32x512xf32, #tpu.memory_space<hbm>>) target_semaphore(%arg26 : memref<!tpu.dma_semaphore, #tpu.memory_space<semaphore_mem>>)
    %add3A_88 = arith.constant 1 : i32
    %add3A_89 = arith.addi %select_n3A, %add3A_88 : i32
    %add3A_90 = arith.constant 128 : i32
    %add3A_91 = arith.addi %mul3A_45, %add3A_90 : i32
    %dma_start3A_92 = arith.constant 0 : i32
    %dma_start3A_93 = tpu.memref_slice %arg5[%add3A_89, %add3A_91, %dma_start3A_92] : memref<77x1024x512xf32, #tpu.memory_space<hbm>> -> memref<1x32x512xf32, #tpu.memory_space<hbm>>
    %dma_start3A_94 = tpu.memref_squeeze %dma_start3A_93 : memref<1x32x512xf32, #tpu.memory_space<hbm>> -> memref<32x512xf32, #tpu.memory_space<hbm>>
    %dma_start3A_95 = arith.constant 0 : i32
    %dma_start3A_96 = tpu.memref_slice %arg5[%add3A_89, %add3A_91, %dma_start3A_95] : memref<77x1024x512xf32, #tpu.memory_space<hbm>> -> memref<1x32x512xf32, #tpu.memory_space<hbm>>
    %dma_start3A_97 = tpu.memref_squeeze %dma_start3A_96 : memref<1x32x512xf32, #tpu.memory_space<hbm>> -> memref<32x512xf32, #tpu.memory_space<hbm>>
    tpu.enqueue_dma source(%arg12 : memref<32x512xf32, #tpu.memory_space<vmem>>) target(%dma_start3A_97 : memref<32x512xf32, #tpu.memory_space<hbm>>) target_semaphore(%arg26 : memref<!tpu.dma_semaphore, #tpu.memory_space<semaphore_mem>>)
    %add3A_98 = arith.constant 1 : i32
    %add3A_99 = arith.addi %select_n3A, %add3A_98 : i32
    %add3A_100 = arith.constant 160 : i32
    %add3A_101 = arith.addi %mul3A_45, %add3A_100 : i32
    %dma_start3A_102 = arith.constant 0 : i32
    %dma_start3A_103 = tpu.memref_slice %arg5[%add3A_99, %add3A_101, %dma_start3A_102] : memref<77x1024x512xf32, #tpu.memory_space<hbm>> -> memref<1x32x512xf32, #tpu.memory_space<hbm>>
    %dma_start3A_104 = tpu.memref_squeeze %dma_start3A_103 : memref<1x32x512xf32, #tpu.memory_space<hbm>> -> memref<32x512xf32, #tpu.memory_space<hbm>>
    %dma_start3A_105 = arith.constant 0 : i32
    %dma_start3A_106 = tpu.memref_slice %arg5[%add3A_99, %add3A_101, %dma_start3A_105] : memref<77x1024x512xf32, #tpu.memory_space<hbm>> -> memref<1x32x512xf32, #tpu.memory_space<hbm>>
    %dma_start3A_107 = tpu.memref_squeeze %dma_start3A_106 : memref<1x32x512xf32, #tpu.memory_space<hbm>> -> memref<32x512xf32, #tpu.memory_space<hbm>>
    tpu.enqueue_dma source(%arg12 : memref<32x512xf32, #tpu.memory_space<vmem>>) target(%dma_start3A_107 : memref<32x512xf32, #tpu.memory_space<hbm>>) target_semaphore(%arg26 : memref<!tpu.dma_semaphore, #tpu.memory_space<semaphore_mem>>)
    %add3A_108 = arith.constant 1 : i32
    %add3A_109 = arith.addi %select_n3A, %add3A_108 : i32
    %add3A_110 = arith.constant 192 : i32
    %add3A_111 = arith.addi %mul3A_45, %add3A_110 : i32
    %dma_start3A_112 = arith.constant 0 : i32
    %dma_start3A_113 = tpu.memref_slice %arg5[%add3A_109, %add3A_111, %dma_start3A_112] : memref<77x1024x512xf32, #tpu.memory_space<hbm>> -> memref<1x32x512xf32, #tpu.memory_space<hbm>>
    %dma_start3A_114 = tpu.memref_squeeze %dma_start3A_113 : memref<1x32x512xf32, #tpu.memory_space<hbm>> -> memref<32x512xf32, #tpu.memory_space<hbm>>
    %dma_start3A_115 = arith.constant 0 : i32
    %dma_start3A_116 = tpu.memref_slice %arg5[%add3A_109, %add3A_111, %dma_start3A_115] : memref<77x1024x512xf32, #tpu.memory_space<hbm>> -> memref<1x32x512xf32, #tpu.memory_space<hbm>>
    %dma_start3A_117 = tpu.memref_squeeze %dma_start3A_116 : memref<1x32x512xf32, #tpu.memory_space<hbm>> -> memref<32x512xf32, #tpu.memory_space<hbm>>
    tpu.enqueue_dma source(%arg12 : memref<32x512xf32, #tpu.memory_space<vmem>>) target(%dma_start3A_117 : memref<32x512xf32, #tpu.memory_space<hbm>>) target_semaphore(%arg26 : memref<!tpu.dma_semaphore, #tpu.memory_space<semaphore_mem>>)
    %add3A_118 = arith.constant 1 : i32
    %add3A_119 = arith.addi %select_n3A, %add3A_118 : i32
    %add3A_120 = arith.constant 224 : i32
    %add3A_121 = arith.addi %mul3A_45, %add3A_120 : i32
    %dma_start3A_122 = arith.constant 0 : i32
    %dma_start3A_123 = tpu.memref_slice %arg5[%add3A_119, %add3A_121, %dma_start3A_122] : memref<77x1024x512xf32, #tpu.memory_space<hbm>> -> memref<1x32x512xf32, #tpu.memory_space<hbm>>
    %dma_start3A_124 = tpu.memref_squeeze %dma_start3A_123 : memref<1x32x512xf32, #tpu.memory_space<hbm>> -> memref<32x512xf32, #tpu.memory_space<hbm>>
    %dma_start3A_125 = arith.constant 0 : i32
    %dma_start3A_126 = tpu.memref_slice %arg5[%add3A_119, %add3A_121, %dma_start3A_125] : memref<77x1024x512xf32, #tpu.memory_space<hbm>> -> memref<1x32x512xf32, #tpu.memory_space<hbm>>
    %dma_start3A_127 = tpu.memref_squeeze %dma_start3A_126 : memref<1x32x512xf32, #tpu.memory_space<hbm>> -> memref<32x512xf32, #tpu.memory_space<hbm>>
    tpu.enqueue_dma source(%arg12 : memref<32x512xf32, #tpu.memory_space<vmem>>) target(%dma_start3A_127 : memref<32x512xf32, #tpu.memory_space<hbm>>) target_semaphore(%arg26 : memref<!tpu.dma_semaphore, #tpu.memory_space<semaphore_mem>>)
    %add3A_128 = arith.constant 1 : i32
    %add3A_129 = arith.addi %select_n3A, %add3A_128 : i32
    %add3A_130 = arith.constant 256 : i32
    %add3A_131 = arith.addi %mul3A_45, %add3A_130 : i32
    %dma_start3A_132 = arith.constant 0 : i32
    %dma_start3A_133 = tpu.memref_slice %arg5[%add3A_129, %add3A_131, %dma_start3A_132] : memref<77x1024x512xf32, #tpu.memory_space<hbm>> -> memref<1x32x512xf32, #tpu.memory_space<hbm>>
    %dma_start3A_134 = tpu.memref_squeeze %dma_start3A_133 : memref<1x32x512xf32, #tpu.memory_space<hbm>> -> memref<32x512xf32, #tpu.memory_space<hbm>>
    %dma_start3A_135 = arith.constant 0 : i32
    %dma_start3A_136 = tpu.memref_slice %arg5[%add3A_129, %add3A_131, %dma_start3A_135] : memref<77x1024x512xf32, #tpu.memory_space<hbm>> -> memref<1x32x512xf32, #tpu.memory_space<hbm>>
    %dma_start3A_137 = tpu.memref_squeeze %dma_start3A_136 : memref<1x32x512xf32, #tpu.memory_space<hbm>> -> memref<32x512xf32, #tpu.memory_space<hbm>>
    tpu.enqueue_dma source(%arg12 : memref<32x512xf32, #tpu.memory_space<vmem>>) target(%dma_start3A_137 : memref<32x512xf32, #tpu.memory_space<hbm>>) target_semaphore(%arg26 : memref<!tpu.dma_semaphore, #tpu.memory_space<semaphore_mem>>)
    %add3A_138 = arith.constant 1 : i32
    %add3A_139 = arith.addi %select_n3A, %add3A_138 : i32
    %add3A_140 = arith.constant 288 : i32
    %add3A_141 = arith.addi %mul3A_45, %add3A_140 : i32
    %dma_start3A_142 = arith.constant 0 : i32
    %dma_start3A_143 = tpu.memref_slice %arg5[%add3A_139, %add3A_141, %dma_start3A_142] : memref<77x1024x512xf32, #tpu.memory_space<hbm>> -> memref<1x32x512xf32, #tpu.memory_space<hbm>>
    %dma_start3A_144 = tpu.memref_squeeze %dma_start3A_143 : memref<1x32x512xf32, #tpu.memory_space<hbm>> -> memref<32x512xf32, #tpu.memory_space<hbm>>
    %dma_start3A_145 = arith.constant 0 : i32
    %dma_start3A_146 = tpu.memref_slice %arg5[%add3A_139, %add3A_141, %dma_start3A_145] : memref<77x1024x512xf32, #tpu.memory_space<hbm>> -> memref<1x32x512xf32, #tpu.memory_space<hbm>>
    %dma_start3A_147 = tpu.memref_squeeze %dma_start3A_146 : memref<1x32x512xf32, #tpu.memory_space<hbm>> -> memref<32x512xf32, #tpu.memory_space<hbm>>
    tpu.enqueue_dma source(%arg12 : memref<32x512xf32, #tpu.memory_space<vmem>>) target(%dma_start3A_147 : memref<32x512xf32, #tpu.memory_space<hbm>>) target_semaphore(%arg26 : memref<!tpu.dma_semaphore, #tpu.memory_space<semaphore_mem>>)
    %add3A_148 = arith.constant 1 : i32
    %add3A_149 = arith.addi %select_n3A, %add3A_148 : i32
    %add3A_150 = arith.constant 320 : i32
    %add3A_151 = arith.addi %mul3A_45, %add3A_150 : i32
    %dma_start3A_152 = arith.constant 0 : i32
    %dma_start3A_153 = tpu.memref_slice %arg5[%add3A_149, %add3A_151, %dma_start3A_152] : memref<77x1024x512xf32, #tpu.memory_space<hbm>> -> memref<1x32x512xf32, #tpu.memory_space<hbm>>
    %dma_start3A_154 = tpu.memref_squeeze %dma_start3A_153 : memref<1x32x512xf32, #tpu.memory_space<hbm>> -> memref<32x512xf32, #tpu.memory_space<hbm>>
    %dma_start3A_155 = arith.constant 0 : i32
    %dma_start3A_156 = tpu.memref_slice %arg5[%add3A_149, %add3A_151, %dma_start3A_155] : memref<77x1024x512xf32, #tpu.memory_space<hbm>> -> memref<1x32x512xf32, #tpu.memory_space<hbm>>
    %dma_start3A_157 = tpu.memref_squeeze %dma_start3A_156 : memref<1x32x512xf32, #tpu.memory_space<hbm>> -> memref<32x512xf32, #tpu.memory_space<hbm>>
    tpu.enqueue_dma source(%arg12 : memref<32x512xf32, #tpu.memory_space<vmem>>) target(%dma_start3A_157 : memref<32x512xf32, #tpu.memory_space<hbm>>) target_semaphore(%arg26 : memref<!tpu.dma_semaphore, #tpu.memory_space<semaphore_mem>>)
    %add3A_158 = arith.constant 1 : i32
    %add3A_159 = arith.addi %select_n3A, %add3A_158 : i32
    %add3A_160 = arith.constant 352 : i32
    %add3A_161 = arith.addi %mul3A_45, %add3A_160 : i32
    %dma_start3A_162 = arith.constant 0 : i32
    %dma_start3A_163 = tpu.memref_slice %arg5[%add3A_159, %add3A_161, %dma_start3A_162] : memref<77x1024x512xf32, #tpu.memory_space<hbm>> -> memref<1x32x512xf32, #tpu.memory_space<hbm>>
    %dma_start3A_164 = tpu.memref_squeeze %dma_start3A_163 : memref<1x32x512xf32, #tpu.memory_space<hbm>> -> memref<32x512xf32, #tpu.memory_space<hbm>>
    %dma_start3A_165 = arith.constant 0 : i32
    %dma_start3A_166 = tpu.memref_slice %arg5[%add3A_159, %add3A_161, %dma_start3A_165] : memref<77x1024x512xf32, #tpu.memory_space<hbm>> -> memref<1x32x512xf32, #tpu.memory_space<hbm>>
    %dma_start3A_167 = tpu.memref_squeeze %dma_start3A_166 : memref<1x32x512xf32, #tpu.memory_space<hbm>> -> memref<32x512xf32, #tpu.memory_space<hbm>>
    tpu.enqueue_dma source(%arg12 : memref<32x512xf32, #tpu.memory_space<vmem>>) target(%dma_start3A_167 : memref<32x512xf32, #tpu.memory_space<hbm>>) target_semaphore(%arg26 : memref<!tpu.dma_semaphore, #tpu.memory_space<semaphore_mem>>)
    %add3A_168 = arith.constant 1 : i32
    %add3A_169 = arith.addi %select_n3A, %add3A_168 : i32
    %add3A_170 = arith.constant 384 : i32
    %add3A_171 = arith.addi %mul3A_45, %add3A_170 : i32
    %dma_start3A_172 = arith.constant 0 : i32
    %dma_start3A_173 = tpu.memref_slice %arg5[%add3A_169, %add3A_171, %dma_start3A_172] : memref<77x1024x512xf32, #tpu.memory_space<hbm>> -> memref<1x32x512xf32, #tpu.memory_space<hbm>>
    %dma_start3A_174 = tpu.memref_squeeze %dma_start3A_173 : memref<1x32x512xf32, #tpu.memory_space<hbm>> -> memref<32x512xf32, #tpu.memory_space<hbm>>
    %dma_start3A_175 = arith.constant 0 : i32
    %dma_start3A_176 = tpu.memref_slice %arg5[%add3A_169, %add3A_171, %dma_start3A_175] : memref<77x1024x512xf32, #tpu.memory_space<hbm>> -> memref<1x32x512xf32, #tpu.memory_space<hbm>>
    %dma_start3A_177 = tpu.memref_squeeze %dma_start3A_176 : memref<1x32x512xf32, #tpu.memory_space<hbm>> -> memref<32x512xf32, #tpu.memory_space<hbm>>
    tpu.enqueue_dma source(%arg12 : memref<32x512xf32, #tpu.memory_space<vmem>>) target(%dma_start3A_177 : memref<32x512xf32, #tpu.memory_space<hbm>>) target_semaphore(%arg26 : memref<!tpu.dma_semaphore, #tpu.memory_space<semaphore_mem>>)
    %add3A_178 = arith.constant 1 : i32
    %add3A_179 = arith.addi %select_n3A, %add3A_178 : i32
    %add3A_180 = arith.constant 416 : i32
    %add3A_181 = arith.addi %mul3A_45, %add3A_180 : i32
    %dma_start3A_182 = arith.constant 0 : i32
    %dma_start3A_183 = tpu.memref_slice %arg5[%add3A_179, %add3A_181, %dma_start3A_182] : memref<77x1024x512xf32, #tpu.memory_space<hbm>> -> memref<1x32x512xf32, #tpu.memory_space<hbm>>
    %dma_start3A_184 = tpu.memref_squeeze %dma_start3A_183 : memref<1x32x512xf32, #tpu.memory_space<hbm>> -> memref<32x512xf32, #tpu.memory_space<hbm>>
    %dma_start3A_185 = arith.constant 0 : i32
    %dma_start3A_186 = tpu.memref_slice %arg5[%add3A_179, %add3A_181, %dma_start3A_185] : memref<77x1024x512xf32, #tpu.memory_space<hbm>> -> memref<1x32x512xf32, #tpu.memory_space<hbm>>
    %dma_start3A_187 = tpu.memref_squeeze %dma_start3A_186 : memref<1x32x512xf32, #tpu.memory_space<hbm>> -> memref<32x512xf32, #tpu.memory_space<hbm>>
    tpu.enqueue_dma source(%arg12 : memref<32x512xf32, #tpu.memory_space<vmem>>) target(%dma_start3A_187 : memref<32x512xf32, #tpu.memory_space<hbm>>) target_semaphore(%arg26 : memref<!tpu.dma_semaphore, #tpu.memory_space<semaphore_mem>>)
    %add3A_188 = arith.constant 1 : i32
    %add3A_189 = arith.addi %select_n3A, %add3A_188 : i32
    %add3A_190 = arith.constant 448 : i32
    %add3A_191 = arith.addi %mul3A_45, %add3A_190 : i32
    %dma_start3A_192 = arith.constant 0 : i32
    %dma_start3A_193 = tpu.memref_slice %arg5[%add3A_189, %add3A_191, %dma_start3A_192] : memref<77x1024x512xf32, #tpu.memory_space<hbm>> -> memref<1x32x512xf32, #tpu.memory_space<hbm>>
    %dma_start3A_194 = tpu.memref_squeeze %dma_start3A_193 : memref<1x32x512xf32, #tpu.memory_space<hbm>> -> memref<32x512xf32, #tpu.memory_space<hbm>>
    %dma_start3A_195 = arith.constant 0 : i32
    %dma_start3A_196 = tpu.memref_slice %arg5[%add3A_189, %add3A_191, %dma_start3A_195] : memref<77x1024x512xf32, #tpu.memory_space<hbm>> -> memref<1x32x512xf32, #tpu.memory_space<hbm>>
    %dma_start3A_197 = tpu.memref_squeeze %dma_start3A_196 : memref<1x32x512xf32, #tpu.memory_space<hbm>> -> memref<32x512xf32, #tpu.memory_space<hbm>>
    tpu.enqueue_dma source(%arg12 : memref<32x512xf32, #tpu.memory_space<vmem>>) target(%dma_start3A_197 : memref<32x512xf32, #tpu.memory_space<hbm>>) target_semaphore(%arg26 : memref<!tpu.dma_semaphore, #tpu.memory_space<semaphore_mem>>)
    %add3A_198 = arith.constant 1 : i32
    %add3A_199 = arith.addi %select_n3A, %add3A_198 : i32
    %add3A_200 = arith.constant 480 : i32
    %add3A_201 = arith.addi %mul3A_45, %add3A_200 : i32
    %dma_start3A_202 = arith.constant 0 : i32
    %dma_start3A_203 = tpu.memref_slice %arg5[%add3A_199, %add3A_201, %dma_start3A_202] : memref<77x1024x512xf32, #tpu.memory_space<hbm>> -> memref<1x32x512xf32, #tpu.memory_space<hbm>>
    %dma_start3A_204 = tpu.memref_squeeze %dma_start3A_203 : memref<1x32x512xf32, #tpu.memory_space<hbm>> -> memref<32x512xf32, #tpu.memory_space<hbm>>
    %dma_start3A_205 = arith.constant 0 : i32
    %dma_start3A_206 = tpu.memref_slice %arg5[%add3A_199, %add3A_201, %dma_start3A_205] : memref<77x1024x512xf32, #tpu.memory_space<hbm>> -> memref<1x32x512xf32, #tpu.memory_space<hbm>>
    %dma_start3A_207 = tpu.memref_squeeze %dma_start3A_206 : memref<1x32x512xf32, #tpu.memory_space<hbm>> -> memref<32x512xf32, #tpu.memory_space<hbm>>
    tpu.enqueue_dma source(%arg12 : memref<32x512xf32, #tpu.memory_space<vmem>>) target(%dma_start3A_207 : memref<32x512xf32, #tpu.memory_space<hbm>>) target_semaphore(%arg26 : memref<!tpu.dma_semaphore, #tpu.memory_space<semaphore_mem>>)
    %scan3A = arith.constant 0 : i32
    %scan3A_208 = arith.constant 0 : i32
    %scan3A_209 = arith.constant 11 : i32
    %scan3A_210 = arith.addi %scan3A_208, %scan3A_209 : i32
    %scan3A_211 = arith.constant 1 : i32
    scf.for %scan3A_410 = %scan3A_208 to %scan3A_210 step %scan3A_211  : i32 {
      %mul3A_411 = arith.constant 6 : i32
      %mul3A_412 = arith.muli %mul3A_411, %scan3A_410 : i32
      %add3A_413 = arith.constant 0 : i32
      %add3A_414 = arith.addi %mul3A_412, %add3A_413 : i32
      %add3A_415 = arith.constant 2 : i32
      %add3A_416 = arith.addi %add3A_414, %add3A_415 : i32
      %lt3A_417 = arith.constant 61 : i32
      %lt3A_418 = arith.cmpi slt, %add3A_416, %lt3A_417 : i32
      %convert_element_type3A = arith.extui %lt3A_418 : i1 to i32
      %cond3A = arith.constant 0 : i32
      %cond3A_419 = arith.cmpi ne, %convert_element_type3A, %cond3A : i32
      scf.if %cond3A_419 {
        %gt3A = arith.constant 0 : i32
        %gt3A_505 = arith.cmpi sgt, %scan3A_410, %gt3A : i32
        %convert_element_type3A_506 = arith.extui %gt3A_505 : i1 to i32
        %cond3A_507 = arith.constant 0 : i32
        %cond3A_508 = arith.cmpi ne, %convert_element_type3A_506, %cond3A_507 : i32
        scf.if %cond3A_508 {
          %dma_wait3A_517 = arith.constant 0 : i32
          %dma_wait3A_518 = arith.constant 0 : i32
          %dma_wait3A_519 = arith.constant 0 : i32
          %dma_wait3A_520 = tpu.memref_slice %arg5[%dma_wait3A_517, %dma_wait3A_518, %dma_wait3A_519] : memref<77x1024x512xf32, #tpu.memory_space<hbm>> -> memref<1x32x512xf32, #tpu.memory_space<hbm>>
          %dma_wait3A_521 = tpu.memref_squeeze %dma_wait3A_520 : memref<1x32x512xf32, #tpu.memory_space<hbm>> -> memref<32x512xf32, #tpu.memory_space<hbm>>
          %dma_wait3A_522 = arith.constant 0 : i32
          %dma_wait3A_523 = arith.constant 0 : i32
          %dma_wait3A_524 = tpu.memref_slice %arg5[%dma_wait3A_517, %dma_wait3A_522, %dma_wait3A_523] : memref<77x1024x512xf32, #tpu.memory_space<hbm>> -> memref<1x32x512xf32, #tpu.memory_space<hbm>>
          %dma_wait3A_525 = tpu.memref_squeeze %dma_wait3A_524 : memref<1x32x512xf32, #tpu.memory_space<hbm>> -> memref<32x512xf32, #tpu.memory_space<hbm>>
          tpu.wait_dma2 semaphore(%arg22 : memref<!tpu.dma_semaphore, #tpu.memory_space<semaphore_mem>>) src(%arg8 : memref<32x512xf32, #tpu.memory_space<vmem>>) dst(%dma_wait3A_525 : memref<32x512xf32, #tpu.memory_space<hbm>>)
        } else {
        }
        %add3A_509 = arith.constant 2 : i32
        %add3A_510 = arith.addi %add3A_414, %add3A_509 : i32
        %mul3A_511 = arith.constant 32 : i32
        %mul3A_512 = arith.muli %add3A_510, %mul3A_511 : i32
        %dma_start3A_513 = tpu.memref_slice %arg13[%mul3A_512] : memref<1952xi32, #tpu.memory_space<vmem>> -> memref<32xi32, #tpu.memory_space<vmem>>
        %dma_start3A_514 = arith.constant 0 : i32
        %dma_start3A_515 = arith.constant 0 : i32
        %dma_start3A_516 = tpu.memref_slice %arg4[%dma_start3A_514, %dma_start3A_515] : memref<49408x512xf32, #tpu.memory_space<hbm>> -> memref<49408x512xf32, #tpu.memory_space<hbm>>
        tpu.enqueue_indirect_dma source(%dma_start3A_516 : memref<49408x512xf32, #tpu.memory_space<hbm>>) target(%arg8 : memref<32x512xf32, #tpu.memory_space<vmem>>) offsets(%dma_start3A_513 : memref<32xi32, #tpu.memory_space<vmem>>) semaphore(%arg16 : memref<!tpu.dma_semaphore, #tpu.memory_space<semaphore_mem>>)
      } else {
      }
      %lt3A_420 = arith.constant 61 : i32
      %lt3A_421 = arith.cmpi slt, %add3A_414, %lt3A_420 : i32
      %convert_element_type3A_422 = arith.extui %lt3A_421 : i1 to i32
      %cond3A_423 = arith.constant 0 : i32
      %cond3A_424 = arith.cmpi ne, %convert_element_type3A_422, %cond3A_423 : i32
      scf.if %cond3A_424 {
        %dma_wait3A_505 = arith.constant 0 : i32
        %dma_wait3A_506 = arith.constant 0 : i32
        %dma_wait3A_507 = tpu.memref_slice %arg4[%dma_wait3A_505, %dma_wait3A_506] : memref<49408x512xf32, #tpu.memory_space<hbm>> -> memref<32x512xf32, #tpu.memory_space<hbm>>
        %dma_wait3A_508 = arith.constant 0 : i32
        %dma_wait3A_509 = arith.constant 0 : i32
        %dma_wait3A_510 = tpu.memref_slice %arg4[%dma_wait3A_508, %dma_wait3A_509] : memref<49408x512xf32, #tpu.memory_space<hbm>> -> memref<32x512xf32, #tpu.memory_space<hbm>>
        tpu.wait_dma2 semaphore(%arg14 : memref<!tpu.dma_semaphore, #tpu.memory_space<semaphore_mem>>) src(%dma_wait3A_510 : memref<32x512xf32, #tpu.memory_space<hbm>>) dst(%arg6 : memref<32x512xf32, #tpu.memory_space<vmem>>)
        %add3A_511 = arith.addi %mul3A_2, %add3A_414 : i32
        %jit3A_512 = arith.constant 32 : i32
        %div3A_513 = arith.divsi %add3A_511, %jit3A_512 : i32
        %sign3A_514 = arith.constant 0 : i32
        %sign3A_515 = arith.cmpi sgt, %add3A_511, %sign3A_514 : i32
        %sign3A_516 = arith.extui %sign3A_515 : i1 to i32
        %sign3A_517 = arith.constant 0 : i32
        %sign3A_518 = arith.cmpi slt, %add3A_511, %sign3A_517 : i32
        %sign3A_519 = arith.extui %sign3A_518 : i1 to i32
        %sign3A_520 = arith.subi %sign3A_516, %sign3A_519 : i32
        %sign3A_521 = arith.constant 0 : i32
        %sign3A_522 = arith.cmpi sgt, %jit3A_512, %sign3A_521 : i32
        %sign3A_523 = arith.extui %sign3A_522 : i1 to i32
        %sign3A_524 = arith.constant 0 : i32
        %sign3A_525 = arith.cmpi slt, %jit3A_512, %sign3A_524 : i32
        %sign3A_526 = arith.extui %sign3A_525 : i1 to i32
        %sign3A_527 = arith.subi %sign3A_523, %sign3A_526 : i32
        %ne3A_528 = arith.cmpi ne, %sign3A_520, %sign3A_527 : i32
        %rem3A_529 = arith.remsi %add3A_511, %jit3A_512 : i32
        %ne3A_530 = arith.constant 0 : i32
        %ne3A_531 = arith.cmpi ne, %rem3A_529, %ne3A_530 : i32
        %and3A_532 = arith.andi %ne3A_528, %ne3A_531 : i1
        %sub3A_533 = arith.constant 1 : i32
        %sub3A_534 = arith.subi %div3A_513, %sub3A_533 : i32
        %select_n3A_535 = arith.select %and3A_532, %sub3A_534, %div3A_513 : i32
        %eq3A_536 = arith.constant 0 : i32
        %eq3A_537 = arith.cmpi eq, %select_n3A_535, %eq3A_536 : i32
        %add3A_538 = arith.constant 16 : i32
        %add3A_539 = arith.addi %select_n3A_535, %add3A_538 : i32
        %jit3A_540 = arith.constant 0 : i32
        %select_n3A_541 = arith.select %eq3A_537, %jit3A_540, %add3A_539 : i32
        %jit3A_542 = arith.constant 32 : i32
        %eq3A_543 = arith.constant 0 : i32
        %eq3A_544 = arith.cmpi eq, %jit3A_542, %eq3A_543 : i32
        %jit3A_545 = arith.constant 1 : i32
        %select_n3A_546 = arith.select %eq3A_544, %jit3A_545, %jit3A_542 : i32
        %rem3A_547 = arith.remsi %add3A_511, %select_n3A_546 : i32
        %ne3A_548 = arith.constant 0 : i32
        %ne3A_549 = arith.cmpi ne, %rem3A_547, %ne3A_548 : i32
        %lt3A_550 = arith.constant 0 : i32
        %lt3A_551 = arith.cmpi slt, %rem3A_547, %lt3A_550 : i32
        %lt3A_552 = arith.constant 0 : i32
        %lt3A_553 = arith.cmpi slt, %select_n3A_546, %lt3A_552 : i32
        %ne3A_554 = arith.xori %lt3A_551, %lt3A_553 : i1
        %and3A_555 = arith.andi %ne3A_554, %ne3A_549 : i1
        %add3A_556 = arith.addi %rem3A_547, %select_n3A_546 : i32
        %select_n3A_557 = arith.select %and3A_555, %add3A_556, %rem3A_547 : i32
        %mul3A_558 = arith.constant 32 : i32
        %mul3A_559 = arith.muli %select_n3A_557, %mul3A_558 : i32
        %dma_start3A_560 = arith.constant 0 : i32
        %dma_start3A_561 = tpu.memref_slice %arg5[%select_n3A_541, %mul3A_559, %dma_start3A_560] : memref<77x1024x512xf32, #tpu.memory_space<hbm>> -> memref<1x32x512xf32, #tpu.memory_space<hbm>>
        %dma_start3A_562 = tpu.memref_squeeze %dma_start3A_561 : memref<1x32x512xf32, #tpu.memory_space<hbm>> -> memref<32x512xf32, #tpu.memory_space<hbm>>
        %dma_start3A_563 = arith.constant 0 : i32
        %dma_start3A_564 = tpu.memref_slice %arg5[%select_n3A_541, %mul3A_559, %dma_start3A_563] : memref<77x1024x512xf32, #tpu.memory_space<hbm>> -> memref<1x32x512xf32, #tpu.memory_space<hbm>>
        %dma_start3A_565 = tpu.memref_squeeze %dma_start3A_564 : memref<1x32x512xf32, #tpu.memory_space<hbm>> -> memref<32x512xf32, #tpu.memory_space<hbm>>
        tpu.enqueue_dma source(%arg6 : memref<32x512xf32, #tpu.memory_space<vmem>>) target(%dma_start3A_565 : memref<32x512xf32, #tpu.memory_space<hbm>>) target_semaphore(%arg20 : memref<!tpu.dma_semaphore, #tpu.memory_space<semaphore_mem>>)
      } else {
      }
      %mul3A_425 = arith.constant 6 : i32
      %mul3A_426 = arith.muli %mul3A_425, %scan3A_410 : i32
      %add3A_427 = arith.constant 1 : i32
      %add3A_428 = arith.addi %mul3A_426, %add3A_427 : i32
      %add3A_429 = arith.constant 2 : i32
      %add3A_430 = arith.addi %add3A_428, %add3A_429 : i32
      %lt3A_431 = arith.constant 61 : i32
      %lt3A_432 = arith.cmpi slt, %add3A_430, %lt3A_431 : i32
      %convert_element_type3A_433 = arith.extui %lt3A_432 : i1 to i32
      %cond3A_434 = arith.constant 0 : i32
      %cond3A_435 = arith.cmpi ne, %convert_element_type3A_433, %cond3A_434 : i32
      scf.if %cond3A_435 {
        %gt3A = arith.constant 0 : i32
        %gt3A_505 = arith.cmpi sgt, %scan3A_410, %gt3A : i32
        %convert_element_type3A_506 = arith.extui %gt3A_505 : i1 to i32
        %cond3A_507 = arith.constant 0 : i32
        %cond3A_508 = arith.cmpi ne, %convert_element_type3A_506, %cond3A_507 : i32
        scf.if %cond3A_508 {
          %dma_wait3A_517 = arith.constant 0 : i32
          %dma_wait3A_518 = arith.constant 0 : i32
          %dma_wait3A_519 = arith.constant 0 : i32
          %dma_wait3A_520 = tpu.memref_slice %arg5[%dma_wait3A_517, %dma_wait3A_518, %dma_wait3A_519] : memref<77x1024x512xf32, #tpu.memory_space<hbm>> -> memref<1x32x512xf32, #tpu.memory_space<hbm>>
          %dma_wait3A_521 = tpu.memref_squeeze %dma_wait3A_520 : memref<1x32x512xf32, #tpu.memory_space<hbm>> -> memref<32x512xf32, #tpu.memory_space<hbm>>
          %dma_wait3A_522 = arith.constant 0 : i32
          %dma_wait3A_523 = arith.constant 0 : i32
          %dma_wait3A_524 = tpu.memref_slice %arg5[%dma_wait3A_517, %dma_wait3A_522, %dma_wait3A_523] : memref<77x1024x512xf32, #tpu.memory_space<hbm>> -> memref<1x32x512xf32, #tpu.memory_space<hbm>>
          %dma_wait3A_525 = tpu.memref_squeeze %dma_wait3A_524 : memref<1x32x512xf32, #tpu.memory_space<hbm>> -> memref<32x512xf32, #tpu.memory_space<hbm>>
          tpu.wait_dma2 semaphore(%arg23 : memref<!tpu.dma_semaphore, #tpu.memory_space<semaphore_mem>>) src(%arg9 : memref<32x512xf32, #tpu.memory_space<vmem>>) dst(%dma_wait3A_525 : memref<32x512xf32, #tpu.memory_space<hbm>>)
        } else {
        }
        %add3A_509 = arith.constant 2 : i32
        %add3A_510 = arith.addi %add3A_428, %add3A_509 : i32
        %mul3A_511 = arith.constant 32 : i32
        %mul3A_512 = arith.muli %add3A_510, %mul3A_511 : i32
        %dma_start3A_513 = tpu.memref_slice %arg13[%mul3A_512] : memref<1952xi32, #tpu.memory_space<vmem>> -> memref<32xi32, #tpu.memory_space<vmem>>
        %dma_start3A_514 = arith.constant 0 : i32
        %dma_start3A_515 = arith.constant 0 : i32
        %dma_start3A_516 = tpu.memref_slice %arg4[%dma_start3A_514, %dma_start3A_515] : memref<49408x512xf32, #tpu.memory_space<hbm>> -> memref<49408x512xf32, #tpu.memory_space<hbm>>
        tpu.enqueue_indirect_dma source(%dma_start3A_516 : memref<49408x512xf32, #tpu.memory_space<hbm>>) target(%arg9 : memref<32x512xf32, #tpu.memory_space<vmem>>) offsets(%dma_start3A_513 : memref<32xi32, #tpu.memory_space<vmem>>) semaphore(%arg17 : memref<!tpu.dma_semaphore, #tpu.memory_space<semaphore_mem>>)
      } else {
      }
      %lt3A_436 = arith.constant 61 : i32
      %lt3A_437 = arith.cmpi slt, %add3A_428, %lt3A_436 : i32
      %convert_element_type3A_438 = arith.extui %lt3A_437 : i1 to i32
      %cond3A_439 = arith.constant 0 : i32
      %cond3A_440 = arith.cmpi ne, %convert_element_type3A_438, %cond3A_439 : i32
      scf.if %cond3A_440 {
        %dma_wait3A_505 = arith.constant 0 : i32
        %dma_wait3A_506 = arith.constant 0 : i32
        %dma_wait3A_507 = tpu.memref_slice %arg4[%dma_wait3A_505, %dma_wait3A_506] : memref<49408x512xf32, #tpu.memory_space<hbm>> -> memref<32x512xf32, #tpu.memory_space<hbm>>
        %dma_wait3A_508 = arith.constant 0 : i32
        %dma_wait3A_509 = arith.constant 0 : i32
        %dma_wait3A_510 = tpu.memref_slice %arg4[%dma_wait3A_508, %dma_wait3A_509] : memref<49408x512xf32, #tpu.memory_space<hbm>> -> memref<32x512xf32, #tpu.memory_space<hbm>>
        tpu.wait_dma2 semaphore(%arg15 : memref<!tpu.dma_semaphore, #tpu.memory_space<semaphore_mem>>) src(%dma_wait3A_510 : memref<32x512xf32, #tpu.memory_space<hbm>>) dst(%arg7 : memref<32x512xf32, #tpu.memory_space<vmem>>)
        %add3A_511 = arith.addi %mul3A_2, %add3A_428 : i32
        %jit3A_512 = arith.constant 32 : i32
        %div3A_513 = arith.divsi %add3A_511, %jit3A_512 : i32
        %sign3A_514 = arith.constant 0 : i32
        %sign3A_515 = arith.cmpi sgt, %add3A_511, %sign3A_514 : i32
        %sign3A_516 = arith.extui %sign3A_515 : i1 to i32
        %sign3A_517 = arith.constant 0 : i32
        %sign3A_518 = arith.cmpi slt, %add3A_511, %sign3A_517 : i32
        %sign3A_519 = arith.extui %sign3A_518 : i1 to i32
        %sign3A_520 = arith.subi %sign3A_516, %sign3A_519 : i32
        %sign3A_521 = arith.constant 0 : i32
        %sign3A_522 = arith.cmpi sgt, %jit3A_512, %sign3A_521 : i32
        %sign3A_523 = arith.extui %sign3A_522 : i1 to i32
        %sign3A_524 = arith.constant 0 : i32
        %sign3A_525 = arith.cmpi slt, %jit3A_512, %sign3A_524 : i32
        %sign3A_526 = arith.extui %sign3A_525 : i1 to i32
        %sign3A_527 = arith.subi %sign3A_523, %sign3A_526 : i32
        %ne3A_528 = arith.cmpi ne, %sign3A_520, %sign3A_527 : i32
        %rem3A_529 = arith.remsi %add3A_511, %jit3A_512 : i32
        %ne3A_530 = arith.constant 0 : i32
        %ne3A_531 = arith.cmpi ne, %rem3A_529, %ne3A_530 : i32
        %and3A_532 = arith.andi %ne3A_528, %ne3A_531 : i1
        %sub3A_533 = arith.constant 1 : i32
        %sub3A_534 = arith.subi %div3A_513, %sub3A_533 : i32
        %select_n3A_535 = arith.select %and3A_532, %sub3A_534, %div3A_513 : i32
        %eq3A_536 = arith.constant 0 : i32
        %eq3A_537 = arith.cmpi eq, %select_n3A_535, %eq3A_536 : i32
        %add3A_538 = arith.constant 16 : i32
        %add3A_539 = arith.addi %select_n3A_535, %add3A_538 : i32
        %jit3A_540 = arith.constant 0 : i32
        %select_n3A_541 = arith.select %eq3A_537, %jit3A_540, %add3A_539 : i32
        %jit3A_542 = arith.constant 32 : i32
        %eq3A_543 = arith.constant 0 : i32
        %eq3A_544 = arith.cmpi eq, %jit3A_542, %eq3A_543 : i32
        %jit3A_545 = arith.constant 1 : i32
        %select_n3A_546 = arith.select %eq3A_544, %jit3A_545, %jit3A_542 : i32
        %rem3A_547 = arith.remsi %add3A_511, %select_n3A_546 : i32
        %ne3A_548 = arith.constant 0 : i32
        %ne3A_549 = arith.cmpi ne, %rem3A_547, %ne3A_548 : i32
        %lt3A_550 = arith.constant 0 : i32
        %lt3A_551 = arith.cmpi slt, %rem3A_547, %lt3A_550 : i32
        %lt3A_552 = arith.constant 0 : i32
        %lt3A_553 = arith.cmpi slt, %select_n3A_546, %lt3A_552 : i32
        %ne3A_554 = arith.xori %lt3A_551, %lt3A_553 : i1
        %and3A_555 = arith.andi %ne3A_554, %ne3A_549 : i1
        %add3A_556 = arith.addi %rem3A_547, %select_n3A_546 : i32
        %select_n3A_557 = arith.select %and3A_555, %add3A_556, %rem3A_547 : i32
        %mul3A_558 = arith.constant 32 : i32
        %mul3A_559 = arith.muli %select_n3A_557, %mul3A_558 : i32
        %dma_start3A_560 = arith.constant 0 : i32
        %dma_start3A_561 = tpu.memref_slice %arg5[%select_n3A_541, %mul3A_559, %dma_start3A_560] : memref<77x1024x512xf32, #tpu.memory_space<hbm>> -> memref<1x32x512xf32, #tpu.memory_space<hbm>>
        %dma_start3A_562 = tpu.memref_squeeze %dma_start3A_561 : memref<1x32x512xf32, #tpu.memory_space<hbm>> -> memref<32x512xf32, #tpu.memory_space<hbm>>
        %dma_start3A_563 = arith.constant 0 : i32
        %dma_start3A_564 = tpu.memref_slice %arg5[%select_n3A_541, %mul3A_559, %dma_start3A_563] : memref<77x1024x512xf32, #tpu.memory_space<hbm>> -> memref<1x32x512xf32, #tpu.memory_space<hbm>>
        %dma_start3A_565 = tpu.memref_squeeze %dma_start3A_564 : memref<1x32x512xf32, #tpu.memory_space<hbm>> -> memref<32x512xf32, #tpu.memory_space<hbm>>
        tpu.enqueue_dma source(%arg7 : memref<32x512xf32, #tpu.memory_space<vmem>>) target(%dma_start3A_565 : memref<32x512xf32, #tpu.memory_space<hbm>>) target_semaphore(%arg21 : memref<!tpu.dma_semaphore, #tpu.memory_space<semaphore_mem>>)
      } else {
      }
      %mul3A_441 = arith.constant 6 : i32
      %mul3A_442 = arith.muli %mul3A_441, %scan3A_410 : i32
      %add3A_443 = arith.constant 2 : i32
      %add3A_444 = arith.addi %mul3A_442, %add3A_443 : i32
      %add3A_445 = arith.constant 2 : i32
      %add3A_446 = arith.addi %add3A_444, %add3A_445 : i32
      %lt3A_447 = arith.constant 61 : i32
      %lt3A_448 = arith.cmpi slt, %add3A_446, %lt3A_447 : i32
      %convert_element_type3A_449 = arith.extui %lt3A_448 : i1 to i32
      %cond3A_450 = arith.constant 0 : i32
      %cond3A_451 = arith.cmpi ne, %convert_element_type3A_449, %cond3A_450 : i32
      scf.if %cond3A_451 {
        %gt3A = arith.constant 0 : i32
        %gt3A_505 = arith.cmpi sgt, %scan3A_410, %gt3A : i32
        %convert_element_type3A_506 = arith.extui %gt3A_505 : i1 to i32
        %cond3A_507 = arith.constant 0 : i32
        %cond3A_508 = arith.cmpi ne, %convert_element_type3A_506, %cond3A_507 : i32
        scf.if %cond3A_508 {
          %dma_wait3A_517 = arith.constant 0 : i32
          %dma_wait3A_518 = arith.constant 0 : i32
          %dma_wait3A_519 = arith.constant 0 : i32
          %dma_wait3A_520 = tpu.memref_slice %arg5[%dma_wait3A_517, %dma_wait3A_518, %dma_wait3A_519] : memref<77x1024x512xf32, #tpu.memory_space<hbm>> -> memref<1x32x512xf32, #tpu.memory_space<hbm>>
          %dma_wait3A_521 = tpu.memref_squeeze %dma_wait3A_520 : memref<1x32x512xf32, #tpu.memory_space<hbm>> -> memref<32x512xf32, #tpu.memory_space<hbm>>
          %dma_wait3A_522 = arith.constant 0 : i32
          %dma_wait3A_523 = arith.constant 0 : i32
          %dma_wait3A_524 = tpu.memref_slice %arg5[%dma_wait3A_517, %dma_wait3A_522, %dma_wait3A_523] : memref<77x1024x512xf32, #tpu.memory_space<hbm>> -> memref<1x32x512xf32, #tpu.memory_space<hbm>>
          %dma_wait3A_525 = tpu.memref_squeeze %dma_wait3A_524 : memref<1x32x512xf32, #tpu.memory_space<hbm>> -> memref<32x512xf32, #tpu.memory_space<hbm>>
          tpu.wait_dma2 semaphore(%arg24 : memref<!tpu.dma_semaphore, #tpu.memory_space<semaphore_mem>>) src(%arg10 : memref<32x512xf32, #tpu.memory_space<vmem>>) dst(%dma_wait3A_525 : memref<32x512xf32, #tpu.memory_space<hbm>>)
        } else {
        }
        %add3A_509 = arith.constant 2 : i32
        %add3A_510 = arith.addi %add3A_444, %add3A_509 : i32
        %mul3A_511 = arith.constant 32 : i32
        %mul3A_512 = arith.muli %add3A_510, %mul3A_511 : i32
        %dma_start3A_513 = tpu.memref_slice %arg13[%mul3A_512] : memref<1952xi32, #tpu.memory_space<vmem>> -> memref<32xi32, #tpu.memory_space<vmem>>
        %dma_start3A_514 = arith.constant 0 : i32
        %dma_start3A_515 = arith.constant 0 : i32
        %dma_start3A_516 = tpu.memref_slice %arg4[%dma_start3A_514, %dma_start3A_515] : memref<49408x512xf32, #tpu.memory_space<hbm>> -> memref<49408x512xf32, #tpu.memory_space<hbm>>
        tpu.enqueue_indirect_dma source(%dma_start3A_516 : memref<49408x512xf32, #tpu.memory_space<hbm>>) target(%arg10 : memref<32x512xf32, #tpu.memory_space<vmem>>) offsets(%dma_start3A_513 : memref<32xi32, #tpu.memory_space<vmem>>) semaphore(%arg18 : memref<!tpu.dma_semaphore, #tpu.memory_space<semaphore_mem>>)
      } else {
      }
      %lt3A_452 = arith.constant 61 : i32
      %lt3A_453 = arith.cmpi slt, %add3A_444, %lt3A_452 : i32
      %convert_element_type3A_454 = arith.extui %lt3A_453 : i1 to i32
      %cond3A_455 = arith.constant 0 : i32
      %cond3A_456 = arith.cmpi ne, %convert_element_type3A_454, %cond3A_455 : i32
      scf.if %cond3A_456 {
        %dma_wait3A_505 = arith.constant 0 : i32
        %dma_wait3A_506 = arith.constant 0 : i32
        %dma_wait3A_507 = tpu.memref_slice %arg4[%dma_wait3A_505, %dma_wait3A_506] : memref<49408x512xf32, #tpu.memory_space<hbm>> -> memref<32x512xf32, #tpu.memory_space<hbm>>
        %dma_wait3A_508 = arith.constant 0 : i32
        %dma_wait3A_509 = arith.constant 0 : i32
        %dma_wait3A_510 = tpu.memref_slice %arg4[%dma_wait3A_508, %dma_wait3A_509] : memref<49408x512xf32, #tpu.memory_space<hbm>> -> memref<32x512xf32, #tpu.memory_space<hbm>>
        tpu.wait_dma2 semaphore(%arg16 : memref<!tpu.dma_semaphore, #tpu.memory_space<semaphore_mem>>) src(%dma_wait3A_510 : memref<32x512xf32, #tpu.memory_space<hbm>>) dst(%arg8 : memref<32x512xf32, #tpu.memory_space<vmem>>)
        %add3A_511 = arith.addi %mul3A_2, %add3A_444 : i32
        %jit3A_512 = arith.constant 32 : i32
        %div3A_513 = arith.divsi %add3A_511, %jit3A_512 : i32
        %sign3A_514 = arith.constant 0 : i32
        %sign3A_515 = arith.cmpi sgt, %add3A_511, %sign3A_514 : i32
        %sign3A_516 = arith.extui %sign3A_515 : i1 to i32
        %sign3A_517 = arith.constant 0 : i32
        %sign3A_518 = arith.cmpi slt, %add3A_511, %sign3A_517 : i32
        %sign3A_519 = arith.extui %sign3A_518 : i1 to i32
        %sign3A_520 = arith.subi %sign3A_516, %sign3A_519 : i32
        %sign3A_521 = arith.constant 0 : i32
        %sign3A_522 = arith.cmpi sgt, %jit3A_512, %sign3A_521 : i32
        %sign3A_523 = arith.extui %sign3A_522 : i1 to i32
        %sign3A_524 = arith.constant 0 : i32
        %sign3A_525 = arith.cmpi slt, %jit3A_512, %sign3A_524 : i32
        %sign3A_526 = arith.extui %sign3A_525 : i1 to i32
        %sign3A_527 = arith.subi %sign3A_523, %sign3A_526 : i32
        %ne3A_528 = arith.cmpi ne, %sign3A_520, %sign3A_527 : i32
        %rem3A_529 = arith.remsi %add3A_511, %jit3A_512 : i32
        %ne3A_530 = arith.constant 0 : i32
        %ne3A_531 = arith.cmpi ne, %rem3A_529, %ne3A_530 : i32
        %and3A_532 = arith.andi %ne3A_528, %ne3A_531 : i1
        %sub3A_533 = arith.constant 1 : i32
        %sub3A_534 = arith.subi %div3A_513, %sub3A_533 : i32
        %select_n3A_535 = arith.select %and3A_532, %sub3A_534, %div3A_513 : i32
        %eq3A_536 = arith.constant 0 : i32
        %eq3A_537 = arith.cmpi eq, %select_n3A_535, %eq3A_536 : i32
        %add3A_538 = arith.constant 16 : i32
        %add3A_539 = arith.addi %select_n3A_535, %add3A_538 : i32
        %jit3A_540 = arith.constant 0 : i32
        %select_n3A_541 = arith.select %eq3A_537, %jit3A_540, %add3A_539 : i32
        %jit3A_542 = arith.constant 32 : i32
        %eq3A_543 = arith.constant 0 : i32
        %eq3A_544 = arith.cmpi eq, %jit3A_542, %eq3A_543 : i32
        %jit3A_545 = arith.constant 1 : i32
        %select_n3A_546 = arith.select %eq3A_544, %jit3A_545, %jit3A_542 : i32
        %rem3A_547 = arith.remsi %add3A_511, %select_n3A_546 : i32
        %ne3A_548 = arith.constant 0 : i32
        %ne3A_549 = arith.cmpi ne, %rem3A_547, %ne3A_548 : i32
        %lt3A_550 = arith.constant 0 : i32
        %lt3A_551 = arith.cmpi slt, %rem3A_547, %lt3A_550 : i32
        %lt3A_552 = arith.constant 0 : i32
        %lt3A_553 = arith.cmpi slt, %select_n3A_546, %lt3A_552 : i32
        %ne3A_554 = arith.xori %lt3A_551, %lt3A_553 : i1
        %and3A_555 = arith.andi %ne3A_554, %ne3A_549 : i1
        %add3A_556 = arith.addi %rem3A_547, %select_n3A_546 : i32
        %select_n3A_557 = arith.select %and3A_555, %add3A_556, %rem3A_547 : i32
        %mul3A_558 = arith.constant 32 : i32
        %mul3A_559 = arith.muli %select_n3A_557, %mul3A_558 : i32
        %dma_start3A_560 = arith.constant 0 : i32
        %dma_start3A_561 = tpu.memref_slice %arg5[%select_n3A_541, %mul3A_559, %dma_start3A_560] : memref<77x1024x512xf32, #tpu.memory_space<hbm>> -> memref<1x32x512xf32, #tpu.memory_space<hbm>>
        %dma_start3A_562 = tpu.memref_squeeze %dma_start3A_561 : memref<1x32x512xf32, #tpu.memory_space<hbm>> -> memref<32x512xf32, #tpu.memory_space<hbm>>
        %dma_start3A_563 = arith.constant 0 : i32
        %dma_start3A_564 = tpu.memref_slice %arg5[%select_n3A_541, %mul3A_559, %dma_start3A_563] : memref<77x1024x512xf32, #tpu.memory_space<hbm>> -> memref<1x32x512xf32, #tpu.memory_space<hbm>>
        %dma_start3A_565 = tpu.memref_squeeze %dma_start3A_564 : memref<1x32x512xf32, #tpu.memory_space<hbm>> -> memref<32x512xf32, #tpu.memory_space<hbm>>
        tpu.enqueue_dma source(%arg8 : memref<32x512xf32, #tpu.memory_space<vmem>>) target(%dma_start3A_565 : memref<32x512xf32, #tpu.memory_space<hbm>>) target_semaphore(%arg22 : memref<!tpu.dma_semaphore, #tpu.memory_space<semaphore_mem>>)
      } else {
      }
      %mul3A_457 = arith.constant 6 : i32
      %mul3A_458 = arith.muli %mul3A_457, %scan3A_410 : i32
      %add3A_459 = arith.constant 3 : i32
      %add3A_460 = arith.addi %mul3A_458, %add3A_459 : i32
      %add3A_461 = arith.constant 2 : i32
      %add3A_462 = arith.addi %add3A_460, %add3A_461 : i32
      %lt3A_463 = arith.constant 61 : i32
      %lt3A_464 = arith.cmpi slt, %add3A_462, %lt3A_463 : i32
      %convert_element_type3A_465 = arith.extui %lt3A_464 : i1 to i32
      %cond3A_466 = arith.constant 0 : i32
      %cond3A_467 = arith.cmpi ne, %convert_element_type3A_465, %cond3A_466 : i32
      scf.if %cond3A_467 {
        %gt3A = arith.constant 0 : i32
        %gt3A_505 = arith.cmpi sgt, %scan3A_410, %gt3A : i32
        %convert_element_type3A_506 = arith.extui %gt3A_505 : i1 to i32
        %cond3A_507 = arith.constant 0 : i32
        %cond3A_508 = arith.cmpi ne, %convert_element_type3A_506, %cond3A_507 : i32
        scf.if %cond3A_508 {
          %dma_wait3A_517 = arith.constant 0 : i32
          %dma_wait3A_518 = arith.constant 0 : i32
          %dma_wait3A_519 = arith.constant 0 : i32
          %dma_wait3A_520 = tpu.memref_slice %arg5[%dma_wait3A_517, %dma_wait3A_518, %dma_wait3A_519] : memref<77x1024x512xf32, #tpu.memory_space<hbm>> -> memref<1x32x512xf32, #tpu.memory_space<hbm>>
          %dma_wait3A_521 = tpu.memref_squeeze %dma_wait3A_520 : memref<1x32x512xf32, #tpu.memory_space<hbm>> -> memref<32x512xf32, #tpu.memory_space<hbm>>
          %dma_wait3A_522 = arith.constant 0 : i32
          %dma_wait3A_523 = arith.constant 0 : i32
          %dma_wait3A_524 = tpu.memref_slice %arg5[%dma_wait3A_517, %dma_wait3A_522, %dma_wait3A_523] : memref<77x1024x512xf32, #tpu.memory_space<hbm>> -> memref<1x32x512xf32, #tpu.memory_space<hbm>>
          %dma_wait3A_525 = tpu.memref_squeeze %dma_wait3A_524 : memref<1x32x512xf32, #tpu.memory_space<hbm>> -> memref<32x512xf32, #tpu.memory_space<hbm>>
          tpu.wait_dma2 semaphore(%arg25 : memref<!tpu.dma_semaphore, #tpu.memory_space<semaphore_mem>>) src(%arg11 : memref<32x512xf32, #tpu.memory_space<vmem>>) dst(%dma_wait3A_525 : memref<32x512xf32, #tpu.memory_space<hbm>>)
        } else {
        }
        %add3A_509 = arith.constant 2 : i32
        %add3A_510 = arith.addi %add3A_460, %add3A_509 : i32
        %mul3A_511 = arith.constant 32 : i32
        %mul3A_512 = arith.muli %add3A_510, %mul3A_511 : i32
        %dma_start3A_513 = tpu.memref_slice %arg13[%mul3A_512] : memref<1952xi32, #tpu.memory_space<vmem>> -> memref<32xi32, #tpu.memory_space<vmem>>
        %dma_start3A_514 = arith.constant 0 : i32
        %dma_start3A_515 = arith.constant 0 : i32
        %dma_start3A_516 = tpu.memref_slice %arg4[%dma_start3A_514, %dma_start3A_515] : memref<49408x512xf32, #tpu.memory_space<hbm>> -> memref<49408x512xf32, #tpu.memory_space<hbm>>
        tpu.enqueue_indirect_dma source(%dma_start3A_516 : memref<49408x512xf32, #tpu.memory_space<hbm>>) target(%arg11 : memref<32x512xf32, #tpu.memory_space<vmem>>) offsets(%dma_start3A_513 : memref<32xi32, #tpu.memory_space<vmem>>) semaphore(%arg19 : memref<!tpu.dma_semaphore, #tpu.memory_space<semaphore_mem>>)
      } else {
      }
      %lt3A_468 = arith.constant 61 : i32
      %lt3A_469 = arith.cmpi slt, %add3A_460, %lt3A_468 : i32
      %convert_element_type3A_470 = arith.extui %lt3A_469 : i1 to i32
      %cond3A_471 = arith.constant 0 : i32
      %cond3A_472 = arith.cmpi ne, %convert_element_type3A_470, %cond3A_471 : i32
      scf.if %cond3A_472 {
        %dma_wait3A_505 = arith.constant 0 : i32
        %dma_wait3A_506 = arith.constant 0 : i32
        %dma_wait3A_507 = tpu.memref_slice %arg4[%dma_wait3A_505, %dma_wait3A_506] : memref<49408x512xf32, #tpu.memory_space<hbm>> -> memref<32x512xf32, #tpu.memory_space<hbm>>
        %dma_wait3A_508 = arith.constant 0 : i32
        %dma_wait3A_509 = arith.constant 0 : i32
        %dma_wait3A_510 = tpu.memref_slice %arg4[%dma_wait3A_508, %dma_wait3A_509] : memref<49408x512xf32, #tpu.memory_space<hbm>> -> memref<32x512xf32, #tpu.memory_space<hbm>>
        tpu.wait_dma2 semaphore(%arg17 : memref<!tpu.dma_semaphore, #tpu.memory_space<semaphore_mem>>) src(%dma_wait3A_510 : memref<32x512xf32, #tpu.memory_space<hbm>>) dst(%arg9 : memref<32x512xf32, #tpu.memory_space<vmem>>)
        %add3A_511 = arith.addi %mul3A_2, %add3A_460 : i32
        %jit3A_512 = arith.constant 32 : i32
        %div3A_513 = arith.divsi %add3A_511, %jit3A_512 : i32
        %sign3A_514 = arith.constant 0 : i32
        %sign3A_515 = arith.cmpi sgt, %add3A_511, %sign3A_514 : i32
        %sign3A_516 = arith.extui %sign3A_515 : i1 to i32
        %sign3A_517 = arith.constant 0 : i32
        %sign3A_518 = arith.cmpi slt, %add3A_511, %sign3A_517 : i32
        %sign3A_519 = arith.extui %sign3A_518 : i1 to i32
        %sign3A_520 = arith.subi %sign3A_516, %sign3A_519 : i32
        %sign3A_521 = arith.constant 0 : i32
        %sign3A_522 = arith.cmpi sgt, %jit3A_512, %sign3A_521 : i32
        %sign3A_523 = arith.extui %sign3A_522 : i1 to i32
        %sign3A_524 = arith.constant 0 : i32
        %sign3A_525 = arith.cmpi slt, %jit3A_512, %sign3A_524 : i32
        %sign3A_526 = arith.extui %sign3A_525 : i1 to i32
        %sign3A_527 = arith.subi %sign3A_523, %sign3A_526 : i32
        %ne3A_528 = arith.cmpi ne, %sign3A_520, %sign3A_527 : i32
        %rem3A_529 = arith.remsi %add3A_511, %jit3A_512 : i32
        %ne3A_530 = arith.constant 0 : i32
        %ne3A_531 = arith.cmpi ne, %rem3A_529, %ne3A_530 : i32
        %and3A_532 = arith.andi %ne3A_528, %ne3A_531 : i1
        %sub3A_533 = arith.constant 1 : i32
        %sub3A_534 = arith.subi %div3A_513, %sub3A_533 : i32
        %select_n3A_535 = arith.select %and3A_532, %sub3A_534, %div3A_513 : i32
        %eq3A_536 = arith.constant 0 : i32
        %eq3A_537 = arith.cmpi eq, %select_n3A_535, %eq3A_536 : i32
        %add3A_538 = arith.constant 16 : i32
        %add3A_539 = arith.addi %select_n3A_535, %add3A_538 : i32
        %jit3A_540 = arith.constant 0 : i32
        %select_n3A_541 = arith.select %eq3A_537, %jit3A_540, %add3A_539 : i32
        %jit3A_542 = arith.constant 32 : i32
        %eq3A_543 = arith.constant 0 : i32
        %eq3A_544 = arith.cmpi eq, %jit3A_542, %eq3A_543 : i32
        %jit3A_545 = arith.constant 1 : i32
        %select_n3A_546 = arith.select %eq3A_544, %jit3A_545, %jit3A_542 : i32
        %rem3A_547 = arith.remsi %add3A_511, %select_n3A_546 : i32
        %ne3A_548 = arith.constant 0 : i32
        %ne3A_549 = arith.cmpi ne, %rem3A_547, %ne3A_548 : i32
        %lt3A_550 = arith.constant 0 : i32
        %lt3A_551 = arith.cmpi slt, %rem3A_547, %lt3A_550 : i32
        %lt3A_552 = arith.constant 0 : i32
        %lt3A_553 = arith.cmpi slt, %select_n3A_546, %lt3A_552 : i32
        %ne3A_554 = arith.xori %lt3A_551, %lt3A_553 : i1
        %and3A_555 = arith.andi %ne3A_554, %ne3A_549 : i1
        %add3A_556 = arith.addi %rem3A_547, %select_n3A_546 : i32
        %select_n3A_557 = arith.select %and3A_555, %add3A_556, %rem3A_547 : i32
        %mul3A_558 = arith.constant 32 : i32
        %mul3A_559 = arith.muli %select_n3A_557, %mul3A_558 : i32
        %dma_start3A_560 = arith.constant 0 : i32
        %dma_start3A_561 = tpu.memref_slice %arg5[%select_n3A_541, %mul3A_559, %dma_start3A_560] : memref<77x1024x512xf32, #tpu.memory_space<hbm>> -> memref<1x32x512xf32, #tpu.memory_space<hbm>>
        %dma_start3A_562 = tpu.memref_squeeze %dma_start3A_561 : memref<1x32x512xf32, #tpu.memory_space<hbm>> -> memref<32x512xf32, #tpu.memory_space<hbm>>
        %dma_start3A_563 = arith.constant 0 : i32
        %dma_start3A_564 = tpu.memref_slice %arg5[%select_n3A_541, %mul3A_559, %dma_start3A_563] : memref<77x1024x512xf32, #tpu.memory_space<hbm>> -> memref<1x32x512xf32, #tpu.memory_space<hbm>>
        %dma_start3A_565 = tpu.memref_squeeze %dma_start3A_564 : memref<1x32x512xf32, #tpu.memory_space<hbm>> -> memref<32x512xf32, #tpu.memory_space<hbm>>
        tpu.enqueue_dma source(%arg9 : memref<32x512xf32, #tpu.memory_space<vmem>>) target(%dma_start3A_565 : memref<32x512xf32, #tpu.memory_space<hbm>>) target_semaphore(%arg23 : memref<!tpu.dma_semaphore, #tpu.memory_space<semaphore_mem>>)
      } else {
      }
      %mul3A_473 = arith.constant 6 : i32
      %mul3A_474 = arith.muli %mul3A_473, %scan3A_410 : i32
      %add3A_475 = arith.constant 4 : i32
      %add3A_476 = arith.addi %mul3A_474, %add3A_475 : i32
      %add3A_477 = arith.constant 2 : i32
      %add3A_478 = arith.addi %add3A_476, %add3A_477 : i32
      %lt3A_479 = arith.constant 61 : i32
      %lt3A_480 = arith.cmpi slt, %add3A_478, %lt3A_479 : i32
      %convert_element_type3A_481 = arith.extui %lt3A_480 : i1 to i32
      %cond3A_482 = arith.constant 0 : i32
      %cond3A_483 = arith.cmpi ne, %convert_element_type3A_481, %cond3A_482 : i32
      scf.if %cond3A_483 {
        %dma_wait3A_505 = arith.constant 0 : i32
        %dma_wait3A_506 = arith.constant 0 : i32
        %dma_wait3A_507 = arith.constant 0 : i32
        %dma_wait3A_508 = tpu.memref_slice %arg5[%dma_wait3A_505, %dma_wait3A_506, %dma_wait3A_507] : memref<77x1024x512xf32, #tpu.memory_space<hbm>> -> memref<1x32x512xf32, #tpu.memory_space<hbm>>
        %dma_wait3A_509 = tpu.memref_squeeze %dma_wait3A_508 : memref<1x32x512xf32, #tpu.memory_space<hbm>> -> memref<32x512xf32, #tpu.memory_space<hbm>>
        %dma_wait3A_510 = arith.constant 0 : i32
        %dma_wait3A_511 = arith.constant 0 : i32
        %dma_wait3A_512 = tpu.memref_slice %arg5[%dma_wait3A_505, %dma_wait3A_510, %dma_wait3A_511] : memref<77x1024x512xf32, #tpu.memory_space<hbm>> -> memref<1x32x512xf32, #tpu.memory_space<hbm>>
        %dma_wait3A_513 = tpu.memref_squeeze %dma_wait3A_512 : memref<1x32x512xf32, #tpu.memory_space<hbm>> -> memref<32x512xf32, #tpu.memory_space<hbm>>
        tpu.wait_dma2 semaphore(%arg20 : memref<!tpu.dma_semaphore, #tpu.memory_space<semaphore_mem>>) src(%arg6 : memref<32x512xf32, #tpu.memory_space<vmem>>) dst(%dma_wait3A_513 : memref<32x512xf32, #tpu.memory_space<hbm>>)
        %add3A_514 = arith.constant 2 : i32
        %add3A_515 = arith.addi %add3A_476, %add3A_514 : i32
        %mul3A_516 = arith.constant 32 : i32
        %mul3A_517 = arith.muli %add3A_515, %mul3A_516 : i32
        %dma_start3A_518 = tpu.memref_slice %arg13[%mul3A_517] : memref<1952xi32, #tpu.memory_space<vmem>> -> memref<32xi32, #tpu.memory_space<vmem>>
        %dma_start3A_519 = arith.constant 0 : i32
        %dma_start3A_520 = arith.constant 0 : i32
        %dma_start3A_521 = tpu.memref_slice %arg4[%dma_start3A_519, %dma_start3A_520] : memref<49408x512xf32, #tpu.memory_space<hbm>> -> memref<49408x512xf32, #tpu.memory_space<hbm>>
        tpu.enqueue_indirect_dma source(%dma_start3A_521 : memref<49408x512xf32, #tpu.memory_space<hbm>>) target(%arg6 : memref<32x512xf32, #tpu.memory_space<vmem>>) offsets(%dma_start3A_518 : memref<32xi32, #tpu.memory_space<vmem>>) semaphore(%arg14 : memref<!tpu.dma_semaphore, #tpu.memory_space<semaphore_mem>>)
      } else {
      }
      %lt3A_484 = arith.constant 61 : i32
      %lt3A_485 = arith.cmpi slt, %add3A_476, %lt3A_484 : i32
      %convert_element_type3A_486 = arith.extui %lt3A_485 : i1 to i32
      %cond3A_487 = arith.constant 0 : i32
      %cond3A_488 = arith.cmpi ne, %convert_element_type3A_486, %cond3A_487 : i32
      scf.if %cond3A_488 {
        %dma_wait3A_505 = arith.constant 0 : i32
        %dma_wait3A_506 = arith.constant 0 : i32
        %dma_wait3A_507 = tpu.memref_slice %arg4[%dma_wait3A_505, %dma_wait3A_506] : memref<49408x512xf32, #tpu.memory_space<hbm>> -> memref<32x512xf32, #tpu.memory_space<hbm>>
        %dma_wait3A_508 = arith.constant 0 : i32
        %dma_wait3A_509 = arith.constant 0 : i32
        %dma_wait3A_510 = tpu.memref_slice %arg4[%dma_wait3A_508, %dma_wait3A_509] : memref<49408x512xf32, #tpu.memory_space<hbm>> -> memref<32x512xf32, #tpu.memory_space<hbm>>
        tpu.wait_dma2 semaphore(%arg18 : memref<!tpu.dma_semaphore, #tpu.memory_space<semaphore_mem>>) src(%dma_wait3A_510 : memref<32x512xf32, #tpu.memory_space<hbm>>) dst(%arg10 : memref<32x512xf32, #tpu.memory_space<vmem>>)
        %add3A_511 = arith.addi %mul3A_2, %add3A_476 : i32
        %jit3A_512 = arith.constant 32 : i32
        %div3A_513 = arith.divsi %add3A_511, %jit3A_512 : i32
        %sign3A_514 = arith.constant 0 : i32
        %sign3A_515 = arith.cmpi sgt, %add3A_511, %sign3A_514 : i32
        %sign3A_516 = arith.extui %sign3A_515 : i1 to i32
        %sign3A_517 = arith.constant 0 : i32
        %sign3A_518 = arith.cmpi slt, %add3A_511, %sign3A_517 : i32
        %sign3A_519 = arith.extui %sign3A_518 : i1 to i32
        %sign3A_520 = arith.subi %sign3A_516, %sign3A_519 : i32
        %sign3A_521 = arith.constant 0 : i32
        %sign3A_522 = arith.cmpi sgt, %jit3A_512, %sign3A_521 : i32
        %sign3A_523 = arith.extui %sign3A_522 : i1 to i32
        %sign3A_524 = arith.constant 0 : i32
        %sign3A_525 = arith.cmpi slt, %jit3A_512, %sign3A_524 : i32
        %sign3A_526 = arith.extui %sign3A_525 : i1 to i32
        %sign3A_527 = arith.subi %sign3A_523, %sign3A_526 : i32
        %ne3A_528 = arith.cmpi ne, %sign3A_520, %sign3A_527 : i32
        %rem3A_529 = arith.remsi %add3A_511, %jit3A_512 : i32
        %ne3A_530 = arith.constant 0 : i32
        %ne3A_531 = arith.cmpi ne, %rem3A_529, %ne3A_530 : i32
        %and3A_532 = arith.andi %ne3A_528, %ne3A_531 : i1
        %sub3A_533 = arith.constant 1 : i32
        %sub3A_534 = arith.subi %div3A_513, %sub3A_533 : i32
        %select_n3A_535 = arith.select %and3A_532, %sub3A_534, %div3A_513 : i32
        %eq3A_536 = arith.constant 0 : i32
        %eq3A_537 = arith.cmpi eq, %select_n3A_535, %eq3A_536 : i32
        %add3A_538 = arith.constant 16 : i32
        %add3A_539 = arith.addi %select_n3A_535, %add3A_538 : i32
        %jit3A_540 = arith.constant 0 : i32
        %select_n3A_541 = arith.select %eq3A_537, %jit3A_540, %add3A_539 : i32
        %jit3A_542 = arith.constant 32 : i32
        %eq3A_543 = arith.constant 0 : i32
        %eq3A_544 = arith.cmpi eq, %jit3A_542, %eq3A_543 : i32
        %jit3A_545 = arith.constant 1 : i32
        %select_n3A_546 = arith.select %eq3A_544, %jit3A_545, %jit3A_542 : i32
        %rem3A_547 = arith.remsi %add3A_511, %select_n3A_546 : i32
        %ne3A_548 = arith.constant 0 : i32
        %ne3A_549 = arith.cmpi ne, %rem3A_547, %ne3A_548 : i32
        %lt3A_550 = arith.constant 0 : i32
        %lt3A_551 = arith.cmpi slt, %rem3A_547, %lt3A_550 : i32
        %lt3A_552 = arith.constant 0 : i32
        %lt3A_553 = arith.cmpi slt, %select_n3A_546, %lt3A_552 : i32
        %ne3A_554 = arith.xori %lt3A_551, %lt3A_553 : i1
        %and3A_555 = arith.andi %ne3A_554, %ne3A_549 : i1
        %add3A_556 = arith.addi %rem3A_547, %select_n3A_546 : i32
        %select_n3A_557 = arith.select %and3A_555, %add3A_556, %rem3A_547 : i32
        %mul3A_558 = arith.constant 32 : i32
        %mul3A_559 = arith.muli %select_n3A_557, %mul3A_558 : i32
        %dma_start3A_560 = arith.constant 0 : i32
        %dma_start3A_561 = tpu.memref_slice %arg5[%select_n3A_541, %mul3A_559, %dma_start3A_560] : memref<77x1024x512xf32, #tpu.memory_space<hbm>> -> memref<1x32x512xf32, #tpu.memory_space<hbm>>
        %dma_start3A_562 = tpu.memref_squeeze %dma_start3A_561 : memref<1x32x512xf32, #tpu.memory_space<hbm>> -> memref<32x512xf32, #tpu.memory_space<hbm>>
        %dma_start3A_563 = arith.constant 0 : i32
        %dma_start3A_564 = tpu.memref_slice %arg5[%select_n3A_541, %mul3A_559, %dma_start3A_563] : memref<77x1024x512xf32, #tpu.memory_space<hbm>> -> memref<1x32x512xf32, #tpu.memory_space<hbm>>
        %dma_start3A_565 = tpu.memref_squeeze %dma_start3A_564 : memref<1x32x512xf32, #tpu.memory_space<hbm>> -> memref<32x512xf32, #tpu.memory_space<hbm>>
        tpu.enqueue_dma source(%arg10 : memref<32x512xf32, #tpu.memory_space<vmem>>) target(%dma_start3A_565 : memref<32x512xf32, #tpu.memory_space<hbm>>) target_semaphore(%arg24 : memref<!tpu.dma_semaphore, #tpu.memory_space<semaphore_mem>>)
      } else {
      }
      %mul3A_489 = arith.constant 6 : i32
      %mul3A_490 = arith.muli %mul3A_489, %scan3A_410 : i32
      %add3A_491 = arith.constant 5 : i32
      %add3A_492 = arith.addi %mul3A_490, %add3A_491 : i32
      %add3A_493 = arith.constant 2 : i32
      %add3A_494 = arith.addi %add3A_492, %add3A_493 : i32
      %lt3A_495 = arith.constant 61 : i32
      %lt3A_496 = arith.cmpi slt, %add3A_494, %lt3A_495 : i32
      %convert_element_type3A_497 = arith.extui %lt3A_496 : i1 to i32
      %cond3A_498 = arith.constant 0 : i32
      %cond3A_499 = arith.cmpi ne, %convert_element_type3A_497, %cond3A_498 : i32
      scf.if %cond3A_499 {
        %dma_wait3A_505 = arith.constant 0 : i32
        %dma_wait3A_506 = arith.constant 0 : i32
        %dma_wait3A_507 = arith.constant 0 : i32
        %dma_wait3A_508 = tpu.memref_slice %arg5[%dma_wait3A_505, %dma_wait3A_506, %dma_wait3A_507] : memref<77x1024x512xf32, #tpu.memory_space<hbm>> -> memref<1x32x512xf32, #tpu.memory_space<hbm>>
        %dma_wait3A_509 = tpu.memref_squeeze %dma_wait3A_508 : memref<1x32x512xf32, #tpu.memory_space<hbm>> -> memref<32x512xf32, #tpu.memory_space<hbm>>
        %dma_wait3A_510 = arith.constant 0 : i32
        %dma_wait3A_511 = arith.constant 0 : i32
        %dma_wait3A_512 = tpu.memref_slice %arg5[%dma_wait3A_505, %dma_wait3A_510, %dma_wait3A_511] : memref<77x1024x512xf32, #tpu.memory_space<hbm>> -> memref<1x32x512xf32, #tpu.memory_space<hbm>>
        %dma_wait3A_513 = tpu.memref_squeeze %dma_wait3A_512 : memref<1x32x512xf32, #tpu.memory_space<hbm>> -> memref<32x512xf32, #tpu.memory_space<hbm>>
        tpu.wait_dma2 semaphore(%arg21 : memref<!tpu.dma_semaphore, #tpu.memory_space<semaphore_mem>>) src(%arg7 : memref<32x512xf32, #tpu.memory_space<vmem>>) dst(%dma_wait3A_513 : memref<32x512xf32, #tpu.memory_space<hbm>>)
        %add3A_514 = arith.constant 2 : i32
        %add3A_515 = arith.addi %add3A_492, %add3A_514 : i32
        %mul3A_516 = arith.constant 32 : i32
        %mul3A_517 = arith.muli %add3A_515, %mul3A_516 : i32
        %dma_start3A_518 = tpu.memref_slice %arg13[%mul3A_517] : memref<1952xi32, #tpu.memory_space<vmem>> -> memref<32xi32, #tpu.memory_space<vmem>>
        %dma_start3A_519 = arith.constant 0 : i32
        %dma_start3A_520 = arith.constant 0 : i32
        %dma_start3A_521 = tpu.memref_slice %arg4[%dma_start3A_519, %dma_start3A_520] : memref<49408x512xf32, #tpu.memory_space<hbm>> -> memref<49408x512xf32, #tpu.memory_space<hbm>>
        tpu.enqueue_indirect_dma source(%dma_start3A_521 : memref<49408x512xf32, #tpu.memory_space<hbm>>) target(%arg7 : memref<32x512xf32, #tpu.memory_space<vmem>>) offsets(%dma_start3A_518 : memref<32xi32, #tpu.memory_space<vmem>>) semaphore(%arg15 : memref<!tpu.dma_semaphore, #tpu.memory_space<semaphore_mem>>)
      } else {
      }
      %lt3A_500 = arith.constant 61 : i32
      %lt3A_501 = arith.cmpi slt, %add3A_492, %lt3A_500 : i32
      %convert_element_type3A_502 = arith.extui %lt3A_501 : i1 to i32
      %cond3A_503 = arith.constant 0 : i32
      %cond3A_504 = arith.cmpi ne, %convert_element_type3A_502, %cond3A_503 : i32
      scf.if %cond3A_504 {
        %dma_wait3A_505 = arith.constant 0 : i32
        %dma_wait3A_506 = arith.constant 0 : i32
        %dma_wait3A_507 = tpu.memref_slice %arg4[%dma_wait3A_505, %dma_wait3A_506] : memref<49408x512xf32, #tpu.memory_space<hbm>> -> memref<32x512xf32, #tpu.memory_space<hbm>>
        %dma_wait3A_508 = arith.constant 0 : i32
        %dma_wait3A_509 = arith.constant 0 : i32
        %dma_wait3A_510 = tpu.memref_slice %arg4[%dma_wait3A_508, %dma_wait3A_509] : memref<49408x512xf32, #tpu.memory_space<hbm>> -> memref<32x512xf32, #tpu.memory_space<hbm>>
        tpu.wait_dma2 semaphore(%arg19 : memref<!tpu.dma_semaphore, #tpu.memory_space<semaphore_mem>>) src(%dma_wait3A_510 : memref<32x512xf32, #tpu.memory_space<hbm>>) dst(%arg11 : memref<32x512xf32, #tpu.memory_space<vmem>>)
        %add3A_511 = arith.addi %mul3A_2, %add3A_492 : i32
        %jit3A_512 = arith.constant 32 : i32
        %div3A_513 = arith.divsi %add3A_511, %jit3A_512 : i32
        %sign3A_514 = arith.constant 0 : i32
        %sign3A_515 = arith.cmpi sgt, %add3A_511, %sign3A_514 : i32
        %sign3A_516 = arith.extui %sign3A_515 : i1 to i32
        %sign3A_517 = arith.constant 0 : i32
        %sign3A_518 = arith.cmpi slt, %add3A_511, %sign3A_517 : i32
        %sign3A_519 = arith.extui %sign3A_518 : i1 to i32
        %sign3A_520 = arith.subi %sign3A_516, %sign3A_519 : i32
        %sign3A_521 = arith.constant 0 : i32
        %sign3A_522 = arith.cmpi sgt, %jit3A_512, %sign3A_521 : i32
        %sign3A_523 = arith.extui %sign3A_522 : i1 to i32
        %sign3A_524 = arith.constant 0 : i32
        %sign3A_525 = arith.cmpi slt, %jit3A_512, %sign3A_524 : i32
        %sign3A_526 = arith.extui %sign3A_525 : i1 to i32
        %sign3A_527 = arith.subi %sign3A_523, %sign3A_526 : i32
        %ne3A_528 = arith.cmpi ne, %sign3A_520, %sign3A_527 : i32
        %rem3A_529 = arith.remsi %add3A_511, %jit3A_512 : i32
        %ne3A_530 = arith.constant 0 : i32
        %ne3A_531 = arith.cmpi ne, %rem3A_529, %ne3A_530 : i32
        %and3A_532 = arith.andi %ne3A_528, %ne3A_531 : i1
        %sub3A_533 = arith.constant 1 : i32
        %sub3A_534 = arith.subi %div3A_513, %sub3A_533 : i32
        %select_n3A_535 = arith.select %and3A_532, %sub3A_534, %div3A_513 : i32
        %eq3A_536 = arith.constant 0 : i32
        %eq3A_537 = arith.cmpi eq, %select_n3A_535, %eq3A_536 : i32
        %add3A_538 = arith.constant 16 : i32
        %add3A_539 = arith.addi %select_n3A_535, %add3A_538 : i32
        %jit3A_540 = arith.constant 0 : i32
        %select_n3A_541 = arith.select %eq3A_537, %jit3A_540, %add3A_539 : i32
        %jit3A_542 = arith.constant 32 : i32
        %eq3A_543 = arith.constant 0 : i32
        %eq3A_544 = arith.cmpi eq, %jit3A_542, %eq3A_543 : i32
        %jit3A_545 = arith.constant 1 : i32
        %select_n3A_546 = arith.select %eq3A_544, %jit3A_545, %jit3A_542 : i32
        %rem3A_547 = arith.remsi %add3A_511, %select_n3A_546 : i32
        %ne3A_548 = arith.constant 0 : i32
        %ne3A_549 = arith.cmpi ne, %rem3A_547, %ne3A_548 : i32
        %lt3A_550 = arith.constant 0 : i32
        %lt3A_551 = arith.cmpi slt, %rem3A_547, %lt3A_550 : i32
        %lt3A_552 = arith.constant 0 : i32
        %lt3A_553 = arith.cmpi slt, %select_n3A_546, %lt3A_552 : i32
        %ne3A_554 = arith.xori %lt3A_551, %lt3A_553 : i1
        %and3A_555 = arith.andi %ne3A_554, %ne3A_549 : i1
        %add3A_556 = arith.addi %rem3A_547, %select_n3A_546 : i32
        %select_n3A_557 = arith.select %and3A_555, %add3A_556, %rem3A_547 : i32
        %mul3A_558 = arith.constant 32 : i32
        %mul3A_559 = arith.muli %select_n3A_557, %mul3A_558 : i32
        %dma_start3A_560 = arith.constant 0 : i32
        %dma_start3A_561 = tpu.memref_slice %arg5[%select_n3A_541, %mul3A_559, %dma_start3A_560] : memref<77x1024x512xf32, #tpu.memory_space<hbm>> -> memref<1x32x512xf32, #tpu.memory_space<hbm>>
        %dma_start3A_562 = tpu.memref_squeeze %dma_start3A_561 : memref<1x32x512xf32, #tpu.memory_space<hbm>> -> memref<32x512xf32, #tpu.memory_space<hbm>>
        %dma_start3A_563 = arith.constant 0 : i32
        %dma_start3A_564 = tpu.memref_slice %arg5[%select_n3A_541, %mul3A_559, %dma_start3A_563] : memref<77x1024x512xf32, #tpu.memory_space<hbm>> -> memref<1x32x512xf32, #tpu.memory_space<hbm>>
        %dma_start3A_565 = tpu.memref_squeeze %dma_start3A_564 : memref<1x32x512xf32, #tpu.memory_space<hbm>> -> memref<32x512xf32, #tpu.memory_space<hbm>>
        tpu.enqueue_dma source(%arg11 : memref<32x512xf32, #tpu.memory_space<vmem>>) target(%dma_start3A_565 : memref<32x512xf32, #tpu.memory_space<hbm>>) target_semaphore(%arg25 : memref<!tpu.dma_semaphore, #tpu.memory_space<semaphore_mem>>)
      } else {
      }
    }
    %scan3A_212 = arith.constant 11 : i32
    %dma_wait3A = arith.constant 0 : i32
    %dma_wait3A_213 = arith.constant 0 : i32
    %dma_wait3A_214 = arith.constant 0 : i32
    %dma_wait3A_215 = tpu.memref_slice %arg5[%dma_wait3A, %dma_wait3A_213, %dma_wait3A_214] : memref<77x1024x512xf32, #tpu.memory_space<hbm>> -> memref<1x32x512xf32, #tpu.memory_space<hbm>>
    %dma_wait3A_216 = tpu.memref_squeeze %dma_wait3A_215 : memref<1x32x512xf32, #tpu.memory_space<hbm>> -> memref<32x512xf32, #tpu.memory_space<hbm>>
    %dma_wait3A_217 = arith.constant 0 : i32
    %dma_wait3A_218 = arith.constant 0 : i32
    %dma_wait3A_219 = tpu.memref_slice %arg5[%dma_wait3A, %dma_wait3A_217, %dma_wait3A_218] : memref<77x1024x512xf32, #tpu.memory_space<hbm>> -> memref<1x32x512xf32, #tpu.memory_space<hbm>>
    %dma_wait3A_220 = tpu.memref_squeeze %dma_wait3A_219 : memref<1x32x512xf32, #tpu.memory_space<hbm>> -> memref<32x512xf32, #tpu.memory_space<hbm>>
    tpu.wait_dma2 semaphore(%arg20 : memref<!tpu.dma_semaphore, #tpu.memory_space<semaphore_mem>>) src(%arg6 : memref<32x512xf32, #tpu.memory_space<vmem>>) dst(%dma_wait3A_220 : memref<32x512xf32, #tpu.memory_space<hbm>>)
    %dma_wait3A_221 = arith.constant 0 : i32
    %dma_wait3A_222 = arith.constant 0 : i32
    %dma_wait3A_223 = arith.constant 0 : i32
    %dma_wait3A_224 = tpu.memref_slice %arg5[%dma_wait3A_221, %dma_wait3A_222, %dma_wait3A_223] : memref<77x1024x512xf32, #tpu.memory_space<hbm>> -> memref<1x32x512xf32, #tpu.memory_space<hbm>>
    %dma_wait3A_225 = tpu.memref_squeeze %dma_wait3A_224 : memref<1x32x512xf32, #tpu.memory_space<hbm>> -> memref<32x512xf32, #tpu.memory_space<hbm>>
    %dma_wait3A_226 = arith.constant 0 : i32
    %dma_wait3A_227 = arith.constant 0 : i32
    %dma_wait3A_228 = tpu.memref_slice %arg5[%dma_wait3A_221, %dma_wait3A_226, %dma_wait3A_227] : memref<77x1024x512xf32, #tpu.memory_space<hbm>> -> memref<1x32x512xf32, #tpu.memory_space<hbm>>
    %dma_wait3A_229 = tpu.memref_squeeze %dma_wait3A_228 : memref<1x32x512xf32, #tpu.memory_space<hbm>> -> memref<32x512xf32, #tpu.memory_space<hbm>>
    tpu.wait_dma2 semaphore(%arg21 : memref<!tpu.dma_semaphore, #tpu.memory_space<semaphore_mem>>) src(%arg7 : memref<32x512xf32, #tpu.memory_space<vmem>>) dst(%dma_wait3A_229 : memref<32x512xf32, #tpu.memory_space<hbm>>)
    %dma_wait3A_230 = arith.constant 0 : i32
    %dma_wait3A_231 = arith.constant 0 : i32
    %dma_wait3A_232 = arith.constant 0 : i32
    %dma_wait3A_233 = tpu.memref_slice %arg5[%dma_wait3A_230, %dma_wait3A_231, %dma_wait3A_232] : memref<77x1024x512xf32, #tpu.memory_space<hbm>> -> memref<1x32x512xf32, #tpu.memory_space<hbm>>
    %dma_wait3A_234 = tpu.memref_squeeze %dma_wait3A_233 : memref<1x32x512xf32, #tpu.memory_space<hbm>> -> memref<32x512xf32, #tpu.memory_space<hbm>>
    %dma_wait3A_235 = arith.constant 0 : i32
    %dma_wait3A_236 = arith.constant 0 : i32
    %dma_wait3A_237 = tpu.memref_slice %arg5[%dma_wait3A_230, %dma_wait3A_235, %dma_wait3A_236] : memref<77x1024x512xf32, #tpu.memory_space<hbm>> -> memref<1x32x512xf32, #tpu.memory_space<hbm>>
    %dma_wait3A_238 = tpu.memref_squeeze %dma_wait3A_237 : memref<1x32x512xf32, #tpu.memory_space<hbm>> -> memref<32x512xf32, #tpu.memory_space<hbm>>
    tpu.wait_dma2 semaphore(%arg22 : memref<!tpu.dma_semaphore, #tpu.memory_space<semaphore_mem>>) src(%arg8 : memref<32x512xf32, #tpu.memory_space<vmem>>) dst(%dma_wait3A_238 : memref<32x512xf32, #tpu.memory_space<hbm>>)
    %dma_wait3A_239 = arith.constant 0 : i32
    %dma_wait3A_240 = arith.constant 0 : i32
    %dma_wait3A_241 = arith.constant 0 : i32
    %dma_wait3A_242 = tpu.memref_slice %arg5[%dma_wait3A_239, %dma_wait3A_240, %dma_wait3A_241] : memref<77x1024x512xf32, #tpu.memory_space<hbm>> -> memref<1x32x512xf32, #tpu.memory_space<hbm>>
    %dma_wait3A_243 = tpu.memref_squeeze %dma_wait3A_242 : memref<1x32x512xf32, #tpu.memory_space<hbm>> -> memref<32x512xf32, #tpu.memory_space<hbm>>
    %dma_wait3A_244 = arith.constant 0 : i32
    %dma_wait3A_245 = arith.constant 0 : i32
    %dma_wait3A_246 = tpu.memref_slice %arg5[%dma_wait3A_239, %dma_wait3A_244, %dma_wait3A_245] : memref<77x1024x512xf32, #tpu.memory_space<hbm>> -> memref<1x32x512xf32, #tpu.memory_space<hbm>>
    %dma_wait3A_247 = tpu.memref_squeeze %dma_wait3A_246 : memref<1x32x512xf32, #tpu.memory_space<hbm>> -> memref<32x512xf32, #tpu.memory_space<hbm>>
    tpu.wait_dma2 semaphore(%arg23 : memref<!tpu.dma_semaphore, #tpu.memory_space<semaphore_mem>>) src(%arg9 : memref<32x512xf32, #tpu.memory_space<vmem>>) dst(%dma_wait3A_247 : memref<32x512xf32, #tpu.memory_space<hbm>>)
    %dma_wait3A_248 = arith.constant 0 : i32
    %dma_wait3A_249 = arith.constant 0 : i32
    %dma_wait3A_250 = arith.constant 0 : i32
    %dma_wait3A_251 = tpu.memref_slice %arg5[%dma_wait3A_248, %dma_wait3A_249, %dma_wait3A_250] : memref<77x1024x512xf32, #tpu.memory_space<hbm>> -> memref<1x32x512xf32, #tpu.memory_space<hbm>>
    %dma_wait3A_252 = tpu.memref_squeeze %dma_wait3A_251 : memref<1x32x512xf32, #tpu.memory_space<hbm>> -> memref<32x512xf32, #tpu.memory_space<hbm>>
    %dma_wait3A_253 = arith.constant 0 : i32
    %dma_wait3A_254 = arith.constant 0 : i32
    %dma_wait3A_255 = tpu.memref_slice %arg5[%dma_wait3A_248, %dma_wait3A_253, %dma_wait3A_254] : memref<77x1024x512xf32, #tpu.memory_space<hbm>> -> memref<1x32x512xf32, #tpu.memory_space<hbm>>
    %dma_wait3A_256 = tpu.memref_squeeze %dma_wait3A_255 : memref<1x32x512xf32, #tpu.memory_space<hbm>> -> memref<32x512xf32, #tpu.memory_space<hbm>>
    tpu.wait_dma2 semaphore(%arg24 : memref<!tpu.dma_semaphore, #tpu.memory_space<semaphore_mem>>) src(%arg10 : memref<32x512xf32, #tpu.memory_space<vmem>>) dst(%dma_wait3A_256 : memref<32x512xf32, #tpu.memory_space<hbm>>)
    %dma_wait3A_257 = arith.constant 0 : i32
    %dma_wait3A_258 = arith.constant 0 : i32
    %dma_wait3A_259 = arith.constant 0 : i32
    %dma_wait3A_260 = tpu.memref_slice %arg5[%dma_wait3A_257, %dma_wait3A_258, %dma_wait3A_259] : memref<77x1024x512xf32, #tpu.memory_space<hbm>> -> memref<1x32x512xf32, #tpu.memory_space<hbm>>
    %dma_wait3A_261 = tpu.memref_squeeze %dma_wait3A_260 : memref<1x32x512xf32, #tpu.memory_space<hbm>> -> memref<32x512xf32, #tpu.memory_space<hbm>>
    %dma_wait3A_262 = arith.constant 0 : i32
    %dma_wait3A_263 = arith.constant 0 : i32
    %dma_wait3A_264 = tpu.memref_slice %arg5[%dma_wait3A_257, %dma_wait3A_262, %dma_wait3A_263] : memref<77x1024x512xf32, #tpu.memory_space<hbm>> -> memref<1x32x512xf32, #tpu.memory_space<hbm>>
    %dma_wait3A_265 = tpu.memref_squeeze %dma_wait3A_264 : memref<1x32x512xf32, #tpu.memory_space<hbm>> -> memref<32x512xf32, #tpu.memory_space<hbm>>
    tpu.wait_dma2 semaphore(%arg25 : memref<!tpu.dma_semaphore, #tpu.memory_space<semaphore_mem>>) src(%arg11 : memref<32x512xf32, #tpu.memory_space<vmem>>) dst(%dma_wait3A_265 : memref<32x512xf32, #tpu.memory_space<hbm>>)
    %dma_wait3A_266 = arith.constant 0 : i32
    %dma_wait3A_267 = arith.constant 0 : i32
    %dma_wait3A_268 = arith.constant 0 : i32
    %dma_wait3A_269 = tpu.memref_slice %arg5[%dma_wait3A_266, %dma_wait3A_267, %dma_wait3A_268] : memref<77x1024x512xf32, #tpu.memory_space<hbm>> -> memref<1x32x512xf32, #tpu.memory_space<hbm>>
    %dma_wait3A_270 = tpu.memref_squeeze %dma_wait3A_269 : memref<1x32x512xf32, #tpu.memory_space<hbm>> -> memref<32x512xf32, #tpu.memory_space<hbm>>
    %dma_wait3A_271 = arith.constant 0 : i32
    %dma_wait3A_272 = arith.constant 0 : i32
    %dma_wait3A_273 = tpu.memref_slice %arg5[%dma_wait3A_266, %dma_wait3A_271, %dma_wait3A_272] : memref<77x1024x512xf32, #tpu.memory_space<hbm>> -> memref<1x32x512xf32, #tpu.memory_space<hbm>>
    %dma_wait3A_274 = tpu.memref_squeeze %dma_wait3A_273 : memref<1x32x512xf32, #tpu.memory_space<hbm>> -> memref<32x512xf32, #tpu.memory_space<hbm>>
    tpu.wait_dma2 semaphore(%arg26 : memref<!tpu.dma_semaphore, #tpu.memory_space<semaphore_mem>>) src(%arg12 : memref<32x512xf32, #tpu.memory_space<vmem>>) dst(%dma_wait3A_274 : memref<32x512xf32, #tpu.memory_space<hbm>>)
    %dma_wait3A_275 = arith.constant 0 : i32
    %dma_wait3A_276 = arith.constant 0 : i32
    %dma_wait3A_277 = arith.constant 0 : i32
    %dma_wait3A_278 = tpu.memref_slice %arg5[%dma_wait3A_275, %dma_wait3A_276, %dma_wait3A_277] : memref<77x1024x512xf32, #tpu.memory_space<hbm>> -> memref<1x32x512xf32, #tpu.memory_space<hbm>>
    %dma_wait3A_279 = tpu.memref_squeeze %dma_wait3A_278 : memref<1x32x512xf32, #tpu.memory_space<hbm>> -> memref<32x512xf32, #tpu.memory_space<hbm>>
    %dma_wait3A_280 = arith.constant 0 : i32
    %dma_wait3A_281 = arith.constant 0 : i32
    %dma_wait3A_282 = tpu.memref_slice %arg5[%dma_wait3A_275, %dma_wait3A_280, %dma_wait3A_281] : memref<77x1024x512xf32, #tpu.memory_space<hbm>> -> memref<1x32x512xf32, #tpu.memory_space<hbm>>
    %dma_wait3A_283 = tpu.memref_squeeze %dma_wait3A_282 : memref<1x32x512xf32, #tpu.memory_space<hbm>> -> memref<32x512xf32, #tpu.memory_space<hbm>>
    tpu.wait_dma2 semaphore(%arg26 : memref<!tpu.dma_semaphore, #tpu.memory_space<semaphore_mem>>) src(%arg12 : memref<32x512xf32, #tpu.memory_space<vmem>>) dst(%dma_wait3A_283 : memref<32x512xf32, #tpu.memory_space<hbm>>)
    %dma_wait3A_284 = arith.constant 0 : i32
    %dma_wait3A_285 = arith.constant 0 : i32
    %dma_wait3A_286 = arith.constant 0 : i32
    %dma_wait3A_287 = tpu.memref_slice %arg5[%dma_wait3A_284, %dma_wait3A_285, %dma_wait3A_286] : memref<77x1024x512xf32, #tpu.memory_space<hbm>> -> memref<1x32x512xf32, #tpu.memory_space<hbm>>
    %dma_wait3A_288 = tpu.memref_squeeze %dma_wait3A_287 : memref<1x32x512xf32, #tpu.memory_space<hbm>> -> memref<32x512xf32, #tpu.memory_space<hbm>>
    %dma_wait3A_289 = arith.constant 0 : i32
    %dma_wait3A_290 = arith.constant 0 : i32
    %dma_wait3A_291 = tpu.memref_slice %arg5[%dma_wait3A_284, %dma_wait3A_289, %dma_wait3A_290] : memref<77x1024x512xf32, #tpu.memory_space<hbm>> -> memref<1x32x512xf32, #tpu.memory_space<hbm>>
    %dma_wait3A_292 = tpu.memref_squeeze %dma_wait3A_291 : memref<1x32x512xf32, #tpu.memory_space<hbm>> -> memref<32x512xf32, #tpu.memory_space<hbm>>
    tpu.wait_dma2 semaphore(%arg26 : memref<!tpu.dma_semaphore, #tpu.memory_space<semaphore_mem>>) src(%arg12 : memref<32x512xf32, #tpu.memory_space<vmem>>) dst(%dma_wait3A_292 : memref<32x512xf32, #tpu.memory_space<hbm>>)
    %dma_wait3A_293 = arith.constant 0 : i32
    %dma_wait3A_294 = arith.constant 0 : i32
    %dma_wait3A_295 = arith.constant 0 : i32
    %dma_wait3A_296 = tpu.memref_slice %arg5[%dma_wait3A_293, %dma_wait3A_294, %dma_wait3A_295] : memref<77x1024x512xf32, #tpu.memory_space<hbm>> -> memref<1x32x512xf32, #tpu.memory_space<hbm>>
    %dma_wait3A_297 = tpu.memref_squeeze %dma_wait3A_296 : memref<1x32x512xf32, #tpu.memory_space<hbm>> -> memref<32x512xf32, #tpu.memory_space<hbm>>
    %dma_wait3A_298 = arith.constant 0 : i32
    %dma_wait3A_299 = arith.constant 0 : i32
    %dma_wait3A_300 = tpu.memref_slice %arg5[%dma_wait3A_293, %dma_wait3A_298, %dma_wait3A_299] : memref<77x1024x512xf32, #tpu.memory_space<hbm>> -> memref<1x32x512xf32, #tpu.memory_space<hbm>>
    %dma_wait3A_301 = tpu.memref_squeeze %dma_wait3A_300 : memref<1x32x512xf32, #tpu.memory_space<hbm>> -> memref<32x512xf32, #tpu.memory_space<hbm>>
    tpu.wait_dma2 semaphore(%arg26 : memref<!tpu.dma_semaphore, #tpu.memory_space<semaphore_mem>>) src(%arg12 : memref<32x512xf32, #tpu.memory_space<vmem>>) dst(%dma_wait3A_301 : memref<32x512xf32, #tpu.memory_space<hbm>>)
    %dma_wait3A_302 = arith.constant 0 : i32
    %dma_wait3A_303 = arith.constant 0 : i32
    %dma_wait3A_304 = arith.constant 0 : i32
    %dma_wait3A_305 = tpu.memref_slice %arg5[%dma_wait3A_302, %dma_wait3A_303, %dma_wait3A_304] : memref<77x1024x512xf32, #tpu.memory_space<hbm>> -> memref<1x32x512xf32, #tpu.memory_space<hbm>>
    %dma_wait3A_306 = tpu.memref_squeeze %dma_wait3A_305 : memref<1x32x512xf32, #tpu.memory_space<hbm>> -> memref<32x512xf32, #tpu.memory_space<hbm>>
    %dma_wait3A_307 = arith.constant 0 : i32
    %dma_wait3A_308 = arith.constant 0 : i32
    %dma_wait3A_309 = tpu.memref_slice %arg5[%dma_wait3A_302, %dma_wait3A_307, %dma_wait3A_308] : memref<77x1024x512xf32, #tpu.memory_space<hbm>> -> memref<1x32x512xf32, #tpu.memory_space<hbm>>
    %dma_wait3A_310 = tpu.memref_squeeze %dma_wait3A_309 : memref<1x32x512xf32, #tpu.memory_space<hbm>> -> memref<32x512xf32, #tpu.memory_space<hbm>>
    tpu.wait_dma2 semaphore(%arg26 : memref<!tpu.dma_semaphore, #tpu.memory_space<semaphore_mem>>) src(%arg12 : memref<32x512xf32, #tpu.memory_space<vmem>>) dst(%dma_wait3A_310 : memref<32x512xf32, #tpu.memory_space<hbm>>)
    %dma_wait3A_311 = arith.constant 0 : i32
    %dma_wait3A_312 = arith.constant 0 : i32
    %dma_wait3A_313 = arith.constant 0 : i32
    %dma_wait3A_314 = tpu.memref_slice %arg5[%dma_wait3A_311, %dma_wait3A_312, %dma_wait3A_313] : memref<77x1024x512xf32, #tpu.memory_space<hbm>> -> memref<1x32x512xf32, #tpu.memory_space<hbm>>
    %dma_wait3A_315 = tpu.memref_squeeze %dma_wait3A_314 : memref<1x32x512xf32, #tpu.memory_space<hbm>> -> memref<32x512xf32, #tpu.memory_space<hbm>>
    %dma_wait3A_316 = arith.constant 0 : i32
    %dma_wait3A_317 = arith.constant 0 : i32
    %dma_wait3A_318 = tpu.memref_slice %arg5[%dma_wait3A_311, %dma_wait3A_316, %dma_wait3A_317] : memref<77x1024x512xf32, #tpu.memory_space<hbm>> -> memref<1x32x512xf32, #tpu.memory_space<hbm>>
    %dma_wait3A_319 = tpu.memref_squeeze %dma_wait3A_318 : memref<1x32x512xf32, #tpu.memory_space<hbm>> -> memref<32x512xf32, #tpu.memory_space<hbm>>
    tpu.wait_dma2 semaphore(%arg26 : memref<!tpu.dma_semaphore, #tpu.memory_space<semaphore_mem>>) src(%arg12 : memref<32x512xf32, #tpu.memory_space<vmem>>) dst(%dma_wait3A_319 : memref<32x512xf32, #tpu.memory_space<hbm>>)
    %dma_wait3A_320 = arith.constant 0 : i32
    %dma_wait3A_321 = arith.constant 0 : i32
    %dma_wait3A_322 = arith.constant 0 : i32
    %dma_wait3A_323 = tpu.memref_slice %arg5[%dma_wait3A_320, %dma_wait3A_321, %dma_wait3A_322] : memref<77x1024x512xf32, #tpu.memory_space<hbm>> -> memref<1x32x512xf32, #tpu.memory_space<hbm>>
    %dma_wait3A_324 = tpu.memref_squeeze %dma_wait3A_323 : memref<1x32x512xf32, #tpu.memory_space<hbm>> -> memref<32x512xf32, #tpu.memory_space<hbm>>
    %dma_wait3A_325 = arith.constant 0 : i32
    %dma_wait3A_326 = arith.constant 0 : i32
    %dma_wait3A_327 = tpu.memref_slice %arg5[%dma_wait3A_320, %dma_wait3A_325, %dma_wait3A_326] : memref<77x1024x512xf32, #tpu.memory_space<hbm>> -> memref<1x32x512xf32, #tpu.memory_space<hbm>>
    %dma_wait3A_328 = tpu.memref_squeeze %dma_wait3A_327 : memref<1x32x512xf32, #tpu.memory_space<hbm>> -> memref<32x512xf32, #tpu.memory_space<hbm>>
    tpu.wait_dma2 semaphore(%arg26 : memref<!tpu.dma_semaphore, #tpu.memory_space<semaphore_mem>>) src(%arg12 : memref<32x512xf32, #tpu.memory_space<vmem>>) dst(%dma_wait3A_328 : memref<32x512xf32, #tpu.memory_space<hbm>>)
    %dma_wait3A_329 = arith.constant 0 : i32
    %dma_wait3A_330 = arith.constant 0 : i32
    %dma_wait3A_331 = arith.constant 0 : i32
    %dma_wait3A_332 = tpu.memref_slice %arg5[%dma_wait3A_329, %dma_wait3A_330, %dma_wait3A_331] : memref<77x1024x512xf32, #tpu.memory_space<hbm>> -> memref<1x32x512xf32, #tpu.memory_space<hbm>>
    %dma_wait3A_333 = tpu.memref_squeeze %dma_wait3A_332 : memref<1x32x512xf32, #tpu.memory_space<hbm>> -> memref<32x512xf32, #tpu.memory_space<hbm>>
    %dma_wait3A_334 = arith.constant 0 : i32
    %dma_wait3A_335 = arith.constant 0 : i32
    %dma_wait3A_336 = tpu.memref_slice %arg5[%dma_wait3A_329, %dma_wait3A_334, %dma_wait3A_335] : memref<77x1024x512xf32, #tpu.memory_space<hbm>> -> memref<1x32x512xf32, #tpu.memory_space<hbm>>
    %dma_wait3A_337 = tpu.memref_squeeze %dma_wait3A_336 : memref<1x32x512xf32, #tpu.memory_space<hbm>> -> memref<32x512xf32, #tpu.memory_space<hbm>>
    tpu.wait_dma2 semaphore(%arg26 : memref<!tpu.dma_semaphore, #tpu.memory_space<semaphore_mem>>) src(%arg12 : memref<32x512xf32, #tpu.memory_space<vmem>>) dst(%dma_wait3A_337 : memref<32x512xf32, #tpu.memory_space<hbm>>)
    %dma_wait3A_338 = arith.constant 0 : i32
    %dma_wait3A_339 = arith.constant 0 : i32
    %dma_wait3A_340 = arith.constant 0 : i32
    %dma_wait3A_341 = tpu.memref_slice %arg5[%dma_wait3A_338, %dma_wait3A_339, %dma_wait3A_340] : memref<77x1024x512xf32, #tpu.memory_space<hbm>> -> memref<1x32x512xf32, #tpu.memory_space<hbm>>
    %dma_wait3A_342 = tpu.memref_squeeze %dma_wait3A_341 : memref<1x32x512xf32, #tpu.memory_space<hbm>> -> memref<32x512xf32, #tpu.memory_space<hbm>>
    %dma_wait3A_343 = arith.constant 0 : i32
    %dma_wait3A_344 = arith.constant 0 : i32
    %dma_wait3A_345 = tpu.memref_slice %arg5[%dma_wait3A_338, %dma_wait3A_343, %dma_wait3A_344] : memref<77x1024x512xf32, #tpu.memory_space<hbm>> -> memref<1x32x512xf32, #tpu.memory_space<hbm>>
    %dma_wait3A_346 = tpu.memref_squeeze %dma_wait3A_345 : memref<1x32x512xf32, #tpu.memory_space<hbm>> -> memref<32x512xf32, #tpu.memory_space<hbm>>
    tpu.wait_dma2 semaphore(%arg26 : memref<!tpu.dma_semaphore, #tpu.memory_space<semaphore_mem>>) src(%arg12 : memref<32x512xf32, #tpu.memory_space<vmem>>) dst(%dma_wait3A_346 : memref<32x512xf32, #tpu.memory_space<hbm>>)
    %dma_wait3A_347 = arith.constant 0 : i32
    %dma_wait3A_348 = arith.constant 0 : i32
    %dma_wait3A_349 = arith.constant 0 : i32
    %dma_wait3A_350 = tpu.memref_slice %arg5[%dma_wait3A_347, %dma_wait3A_348, %dma_wait3A_349] : memref<77x1024x512xf32, #tpu.memory_space<hbm>> -> memref<1x32x512xf32, #tpu.memory_space<hbm>>
    %dma_wait3A_351 = tpu.memref_squeeze %dma_wait3A_350 : memref<1x32x512xf32, #tpu.memory_space<hbm>> -> memref<32x512xf32, #tpu.memory_space<hbm>>
    %dma_wait3A_352 = arith.constant 0 : i32
    %dma_wait3A_353 = arith.constant 0 : i32
    %dma_wait3A_354 = tpu.memref_slice %arg5[%dma_wait3A_347, %dma_wait3A_352, %dma_wait3A_353] : memref<77x1024x512xf32, #tpu.memory_space<hbm>> -> memref<1x32x512xf32, #tpu.memory_space<hbm>>
    %dma_wait3A_355 = tpu.memref_squeeze %dma_wait3A_354 : memref<1x32x512xf32, #tpu.memory_space<hbm>> -> memref<32x512xf32, #tpu.memory_space<hbm>>
    tpu.wait_dma2 semaphore(%arg26 : memref<!tpu.dma_semaphore, #tpu.memory_space<semaphore_mem>>) src(%arg12 : memref<32x512xf32, #tpu.memory_space<vmem>>) dst(%dma_wait3A_355 : memref<32x512xf32, #tpu.memory_space<hbm>>)
    %dma_wait3A_356 = arith.constant 0 : i32
    %dma_wait3A_357 = arith.constant 0 : i32
    %dma_wait3A_358 = arith.constant 0 : i32
    %dma_wait3A_359 = tpu.memref_slice %arg5[%dma_wait3A_356, %dma_wait3A_357, %dma_wait3A_358] : memref<77x1024x512xf32, #tpu.memory_space<hbm>> -> memref<1x32x512xf32, #tpu.memory_space<hbm>>
    %dma_wait3A_360 = tpu.memref_squeeze %dma_wait3A_359 : memref<1x32x512xf32, #tpu.memory_space<hbm>> -> memref<32x512xf32, #tpu.memory_space<hbm>>
    %dma_wait3A_361 = arith.constant 0 : i32
    %dma_wait3A_362 = arith.constant 0 : i32
    %dma_wait3A_363 = tpu.memref_slice %arg5[%dma_wait3A_356, %dma_wait3A_361, %dma_wait3A_362] : memref<77x1024x512xf32, #tpu.memory_space<hbm>> -> memref<1x32x512xf32, #tpu.memory_space<hbm>>
    %dma_wait3A_364 = tpu.memref_squeeze %dma_wait3A_363 : memref<1x32x512xf32, #tpu.memory_space<hbm>> -> memref<32x512xf32, #tpu.memory_space<hbm>>
    tpu.wait_dma2 semaphore(%arg26 : memref<!tpu.dma_semaphore, #tpu.memory_space<semaphore_mem>>) src(%arg12 : memref<32x512xf32, #tpu.memory_space<vmem>>) dst(%dma_wait3A_364 : memref<32x512xf32, #tpu.memory_space<hbm>>)
    %dma_wait3A_365 = arith.constant 0 : i32
    %dma_wait3A_366 = arith.constant 0 : i32
    %dma_wait3A_367 = arith.constant 0 : i32
    %dma_wait3A_368 = tpu.memref_slice %arg5[%dma_wait3A_365, %dma_wait3A_366, %dma_wait3A_367] : memref<77x1024x512xf32, #tpu.memory_space<hbm>> -> memref<1x32x512xf32, #tpu.memory_space<hbm>>
    %dma_wait3A_369 = tpu.memref_squeeze %dma_wait3A_368 : memref<1x32x512xf32, #tpu.memory_space<hbm>> -> memref<32x512xf32, #tpu.memory_space<hbm>>
    %dma_wait3A_370 = arith.constant 0 : i32
    %dma_wait3A_371 = arith.constant 0 : i32
    %dma_wait3A_372 = tpu.memref_slice %arg5[%dma_wait3A_365, %dma_wait3A_370, %dma_wait3A_371] : memref<77x1024x512xf32, #tpu.memory_space<hbm>> -> memref<1x32x512xf32, #tpu.memory_space<hbm>>
    %dma_wait3A_373 = tpu.memref_squeeze %dma_wait3A_372 : memref<1x32x512xf32, #tpu.memory_space<hbm>> -> memref<32x512xf32, #tpu.memory_space<hbm>>
    tpu.wait_dma2 semaphore(%arg26 : memref<!tpu.dma_semaphore, #tpu.memory_space<semaphore_mem>>) src(%arg12 : memref<32x512xf32, #tpu.memory_space<vmem>>) dst(%dma_wait3A_373 : memref<32x512xf32, #tpu.memory_space<hbm>>)
    %dma_wait3A_374 = arith.constant 0 : i32
    %dma_wait3A_375 = arith.constant 0 : i32
    %dma_wait3A_376 = arith.constant 0 : i32
    %dma_wait3A_377 = tpu.memref_slice %arg5[%dma_wait3A_374, %dma_wait3A_375, %dma_wait3A_376] : memref<77x1024x512xf32, #tpu.memory_space<hbm>> -> memref<1x32x512xf32, #tpu.memory_space<hbm>>
    %dma_wait3A_378 = tpu.memref_squeeze %dma_wait3A_377 : memref<1x32x512xf32, #tpu.memory_space<hbm>> -> memref<32x512xf32, #tpu.memory_space<hbm>>
    %dma_wait3A_379 = arith.constant 0 : i32
    %dma_wait3A_380 = arith.constant 0 : i32
    %dma_wait3A_381 = tpu.memref_slice %arg5[%dma_wait3A_374, %dma_wait3A_379, %dma_wait3A_380] : memref<77x1024x512xf32, #tpu.memory_space<hbm>> -> memref<1x32x512xf32, #tpu.memory_space<hbm>>
    %dma_wait3A_382 = tpu.memref_squeeze %dma_wait3A_381 : memref<1x32x512xf32, #tpu.memory_space<hbm>> -> memref<32x512xf32, #tpu.memory_space<hbm>>
    tpu.wait_dma2 semaphore(%arg26 : memref<!tpu.dma_semaphore, #tpu.memory_space<semaphore_mem>>) src(%arg12 : memref<32x512xf32, #tpu.memory_space<vmem>>) dst(%dma_wait3A_382 : memref<32x512xf32, #tpu.memory_space<hbm>>)
    %dma_wait3A_383 = arith.constant 0 : i32
    %dma_wait3A_384 = arith.constant 0 : i32
    %dma_wait3A_385 = arith.constant 0 : i32
    %dma_wait3A_386 = tpu.memref_slice %arg5[%dma_wait3A_383, %dma_wait3A_384, %dma_wait3A_385] : memref<77x1024x512xf32, #tpu.memory_space<hbm>> -> memref<1x32x512xf32, #tpu.memory_space<hbm>>
    %dma_wait3A_387 = tpu.memref_squeeze %dma_wait3A_386 : memref<1x32x512xf32, #tpu.memory_space<hbm>> -> memref<32x512xf32, #tpu.memory_space<hbm>>
    %dma_wait3A_388 = arith.constant 0 : i32
    %dma_wait3A_389 = arith.constant 0 : i32
    %dma_wait3A_390 = tpu.memref_slice %arg5[%dma_wait3A_383, %dma_wait3A_388, %dma_wait3A_389] : memref<77x1024x512xf32, #tpu.memory_space<hbm>> -> memref<1x32x512xf32, #tpu.memory_space<hbm>>
    %dma_wait3A_391 = tpu.memref_squeeze %dma_wait3A_390 : memref<1x32x512xf32, #tpu.memory_space<hbm>> -> memref<32x512xf32, #tpu.memory_space<hbm>>
    tpu.wait_dma2 semaphore(%arg26 : memref<!tpu.dma_semaphore, #tpu.memory_space<semaphore_mem>>) src(%arg12 : memref<32x512xf32, #tpu.memory_space<vmem>>) dst(%dma_wait3A_391 : memref<32x512xf32, #tpu.memory_space<hbm>>)
    %dma_wait3A_392 = arith.constant 0 : i32
    %dma_wait3A_393 = arith.constant 0 : i32
    %dma_wait3A_394 = arith.constant 0 : i32
    %dma_wait3A_395 = tpu.memref_slice %arg5[%dma_wait3A_392, %dma_wait3A_393, %dma_wait3A_394] : memref<77x1024x512xf32, #tpu.memory_space<hbm>> -> memref<1x32x512xf32, #tpu.memory_space<hbm>>
    %dma_wait3A_396 = tpu.memref_squeeze %dma_wait3A_395 : memref<1x32x512xf32, #tpu.memory_space<hbm>> -> memref<32x512xf32, #tpu.memory_space<hbm>>
    %dma_wait3A_397 = arith.constant 0 : i32
    %dma_wait3A_398 = arith.constant 0 : i32
    %dma_wait3A_399 = tpu.memref_slice %arg5[%dma_wait3A_392, %dma_wait3A_397, %dma_wait3A_398] : memref<77x1024x512xf32, #tpu.memory_space<hbm>> -> memref<1x32x512xf32, #tpu.memory_space<hbm>>
    %dma_wait3A_400 = tpu.memref_squeeze %dma_wait3A_399 : memref<1x32x512xf32, #tpu.memory_space<hbm>> -> memref<32x512xf32, #tpu.memory_space<hbm>>
    tpu.wait_dma2 semaphore(%arg26 : memref<!tpu.dma_semaphore, #tpu.memory_space<semaphore_mem>>) src(%arg12 : memref<32x512xf32, #tpu.memory_space<vmem>>) dst(%dma_wait3A_400 : memref<32x512xf32, #tpu.memory_space<hbm>>)
    %dma_wait3A_401 = arith.constant 0 : i32
    %dma_wait3A_402 = arith.constant 0 : i32
    %dma_wait3A_403 = arith.constant 0 : i32
    %dma_wait3A_404 = tpu.memref_slice %arg5[%dma_wait3A_401, %dma_wait3A_402, %dma_wait3A_403] : memref<77x1024x512xf32, #tpu.memory_space<hbm>> -> memref<1x32x512xf32, #tpu.memory_space<hbm>>
    %dma_wait3A_405 = tpu.memref_squeeze %dma_wait3A_404 : memref<1x32x512xf32, #tpu.memory_space<hbm>> -> memref<32x512xf32, #tpu.memory_space<hbm>>
    %dma_wait3A_406 = arith.constant 0 : i32
    %dma_wait3A_407 = arith.constant 0 : i32
    %dma_wait3A_408 = tpu.memref_slice %arg5[%dma_wait3A_401, %dma_wait3A_406, %dma_wait3A_407] : memref<77x1024x512xf32, #tpu.memory_space<hbm>> -> memref<1x32x512xf32, #tpu.memory_space<hbm>>
    %dma_wait3A_409 = tpu.memref_squeeze %dma_wait3A_408 : memref<1x32x512xf32, #tpu.memory_space<hbm>> -> memref<32x512xf32, #tpu.memory_space<hbm>>
    tpu.wait_dma2 semaphore(%arg26 : memref<!tpu.dma_semaphore, #tpu.memory_space<semaphore_mem>>) src(%arg12 : memref<32x512xf32, #tpu.memory_space<vmem>>) dst(%dma_wait3A_409 : memref<32x512xf32, #tpu.memory_space<hbm>>)
    return
  }
}

</mosaic_0001>

<sc_bundles>
// kernel: _assemble.3.cloned.1.call-start
scs
__scs_entry_jumppad:
0x0: {  	(pc) =	sbr.rel $0x88, $3  }
0x1: {  	(tag) =	ssettag $0x0;
	lr =	simm.s32 $0x1  }
0x2: {  	[smem:$0x3F9E] =	sst lr;
	_ =	strace $0xD0000000  }
0x3: {  	_ = 	snop  }
0x4: {  	_ = 	snop  }
0x5: {  	_ = 	snop  }
0x6: {  	_ = 	snop  }
0x7: {  	_ = 	snop  }
__scs_overlays_trampoline_lowered:
0x8: {  	[smem:$0x3FAD] =	sst s0  }
0x9: {  	[smem:$0x3FAE] =	sst s1  }
0xa: {  	[smem:$0x3FAF] =	sst s2  }
0xb: {  	[smem:$0x3FB0] =	sst s3  }
0xc: {  	[smem:$0x3FB1] =	sst s4  }
0xd: {  	[smem:$0x3FB2] =	sst s5  }
0xe: {  	[smem:$0x3FB3] =	sst s6  }
0xf: {  	[smem:$0x3FB4] =	sst s7  }
0x10: {  	[smem:$0x3FB5] =	sst s8  }
0x11: {  	[smem:$0x3FB6] =	sst s9;
	s0 =	simm.s32 @!p0 $0x0  }
0x12: {  	s1 =	sld [smem:$0x3F9C];
	s0 =	simm.s32 @p0 $0x1  }
0x13: {  	[smem:$0x3FB7] =	sst s0;
	s0 =	simm.s32 @!p1 $0x0  }
0x14: {  	s2 =	sld [smem:$0x3F9B];
	s0 =	simm.s32 @p1 $0x1  }
0x15: {  	[smem:$0x3FB8] =	sst s0;
	s0 =	simm.s32 @!p2 $0x0  }
0x16: {  	s3 =	sld [smem:$0x3FDB];
	s0 =	simm.s32 @p2 $0x1  }
0x17: {  	s4 =	simm.s32 $0x1BF5;
	[smem:$0x3FBA] =	sst s0  }
0x18: {  	s0 =	sld [smem:$0x3F9D];
	_ =	swait.ge [sflag:s4], $0x0  }
0x19: {  	s7 =	sld [smem:$0x3F9E]  }
0x1a: {  	s8 =	sadd.s32 $0xFFFFE003, lr  }
0x1b: {  	s9 =	sadd.s32 $0xFFFFFEF7, lr;
	s5 =	simm.s32 $0xFFFFFFFF;
	p2 =	slt.u32 s8, $0xFFFFF086  }
0x1c: {  	p1 =	slt.u32 s9, $0xF7A;
	s5 =	simm.s32 @!p2 $0x0  }
0x1d: {  	s5 =	simm.s32 @p1 $0x1;
	p0 =	seq.s32 s7, s2  }
0x1e: {  	s7 =	smul.u32 @!p0 $0xF7A, s2;
	p2 =	seq.s32 @!p0 s5, $0x0  }
0x1f: {  	s9 =	smul.u32 $0xF7A, s1;
	s8 =	simm.s32 @!p0 $0x1BF5;
	p2 =	por !p2, p0  }
0x20: {  	[sflag:s8] =	ssyncset.s32 @!p0 $0xFFFFF086;
	s6 =	sadd.s32 @!p0 s3, s7;
	s7 =	simm.s32 @!p0 $0x108  }
0x21: {  	s3 =	sadd.s32 s3, s9;
	s6 =	sadd.s32 @!p0 $0x88, s6;
	s7 =	simm.s32 @p2 $0x1082  }
0x22: {  	[simem:s7], [sflag:s8] =	dma.local @!p0 [hbm:s6], $0xF7A  }
0x23: {  	s9 =	sor.u32 $0xD0000000, s2;
	s6 =	simm.s32 $0x108;
	_ =	swait.ge @!p0 [sflag:s8], $0x0  }
0x24: {  	s3 =	sadd.s32 $0x88, s3;
	s6 =	simm.s32 @!p1 $0x1082;
	[sflag:s4] =	ssyncset.s32 $0xFFFFF086  }
0x25: {  	[simem:s6], [sflag:s4] =	dma.local [hbm:s3], $0xF7A  }
0x26: {  	[smem:$0x3F9E] =	sst s1;
	(tag) =	ssettag s2;
	_ =	strace s9  }
0x27: {  	s1 =	sld [smem:$0x3FAE]  }
0x28: {  	s2 =	sld [smem:$0x3FAF]  }
0x29: {  	s4 =	sld [smem:$0x3FB1]  }
0x2a: {  	p0 =	seq.s32 s5, $0x0;
	s5 =	sld [smem:$0x3FB2]  }
0x2b: {  	s6 =	sld [smem:$0x3FB3]  }
0x2c: {  	s7 =	sld [smem:$0x3FB4]  }
0x2d: {  	s3 =	simm.s32 $0x108;
	s8 =	sld [smem:$0x3FB5]  }
0x2e: {  	s3 =	simm.s32 @!p0 $0x1082;
	s9 =	sld [smem:$0x3FB6]  }
0x2f: {  	lr =	sadd.s32 s0, s3;
	s0 =	sld [smem:$0x3FAD]  }
0x30: {  	s3 =	sld [smem:$0x3FB0]  }
0x31: {  	[smem:$0x3FB9] =	sst s10  }
0x32: {  	s10 =	sld [smem:$0x3FB7];
	_ =	sdelay $0x3  }
0x33: {  	p0 =	seq.s32 s10, $0x1;
	s10 =	sld [smem:$0x3FB9];
	_ =	sdelay $0x3  }
0x34: {  	[smem:$0x3FB9] =	sst s10  }
0x35: {  	s10 =	sld [smem:$0x3FB8];
	_ =	sdelay $0x3  }
0x36: {  	p1 =	seq.s32 s10, $0x1;
	s10 =	sld [smem:$0x3FB9];
	_ =	sdelay $0x3  }
0x37: {  	[smem:$0x3FB9] =	sst s10  }
0x38: {  	s10 =	sld [smem:$0x3FBA]  }
0x39: {  	_ = 	snop;
	(pc) =	sbr.ind lr, $3  }
0x3a: {  	_ = 	snop  }
0x3b: {  	_ = 	snop  }
0x3c: {  	p2 =	seq.s32 s10, $0x1;
	s10 =	sld [smem:$0x3FB9]  }
0x3d: {  	_ =	shalt  }
0x3e: {  	_ =	shalt  }
0x3f: {  	_ =	shalt  }
0x40: {  	_ =	shalt  }
0x41: {  	_ =	shalt  }
0x42: {  	_ =	shalt  }
0x43: {  	_ =	shalt  }
0x44: {  	_ =	shalt  }
0x45: {  	_ =	shalt  }
0x46: {  	_ =	shalt  }
0x47: {  	_ =	shalt  }
0x48: {  	_ =	shalt  }
0x49: {  	_ =	shalt  }
0x4a: {  	_ =	shalt  }
0x4b: {  	_ =	shalt  }
0x4c: {  	_ =	shalt  }
0x4d: {  	_ =	shalt  }
0x4e: {  	_ =	shalt  }
0x4f: {  	_ =	shalt  }
0x50: {  	_ =	shalt  }
0x51: {  	_ =	shalt  }
0x52: {  	_ =	shalt  }
0x53: {  	_ =	shalt  }
0x54: {  	_ =	shalt  }
0x55: {  	_ =	shalt  }
0x56: {  	_ =	shalt  }
0x57: {  	_ =	shalt  }
0x58: {  	_ =	shalt  }
0x59: {  	_ =	shalt  }
0x5a: {  	_ =	shalt  }
0x5b: {  	_ =	shalt  }
0x5c: {  	_ =	shalt  }
0x5d: {  	_ =	shalt  }
0x5e: {  	_ =	shalt  }
0x5f: {  	_ =	shalt  }
0x60: {  	_ =	shalt  }
0x61: {  	_ =	shalt  }
0x62: {  	_ =	shalt  }
0x63: {  	_ =	shalt  }
0x64: {  	_ =	shalt  }
0x65: {  	_ =	shalt  }
0x66: {  	_ =	shalt  }
0x67: {  	_ =	shalt  }
0x68: {  	_ =	shalt  }
0x69: {  	_ =	shalt  }
0x6a: {  	_ =	shalt  }
0x6b: {  	_ =	shalt  }
0x6c: {  	_ =	shalt  }
0x6d: {  	_ =	shalt  }
0x6e: {  	_ =	shalt  }
0x6f: {  	_ =	shalt  }
0x70: {  	_ =	shalt  }
0x71: {  	_ =	shalt  }
0x72: {  	_ =	shalt  }
0x73: {  	_ =	shalt  }
0x74: {  	_ =	shalt  }
0x75: {  	_ =	shalt  }
0x76: {  	_ =	shalt  }
0x77: {  	_ =	shalt  }
0x78: {  	_ =	shalt  }
0x79: {  	_ =	shalt  }
0x7a: {  	_ =	shalt  }
0x7b: {  	_ =	shalt  }
0x7c: {  	_ =	shalt  }
0x7d: {  	_ =	shalt  }
0x7e: {  	_ =	shalt  }
0x7f: {  	_ =	shalt  }
0x80: {  	_ =	shalt  }
0x81: {  	_ =	shalt  }
0x82: {  	_ =	shalt  }
0x83: {  	_ =	shalt  }
0x84: {  	_ =	shalt  }
0x85: {  	_ =	shalt  }
0x86: {  	_ =	shalt  }
0x87: {  	_ =	shalt  }
.Lfunc_end0:
.L_simem_size_0:
called_computation_lowered:
.L_overlay_start_0:
0x88: {  	s2 =	sld [smem:$0x3FD9]  }
0x89: {  	s3 =	sld [smem:$0x3FFE];
	_ =	sdelay $0x1  }
0x8a: {  	s1 =	srdreg.scid  }
0x8b: {  	s0 =	sand.u32 $0x1, s1  }
0x8c: {  	s18 =	sshll.u32 s0, $0xA;
	s2 =	sadd.s32 s3, s2  }
0x8d: {  	s2 =	sadd.s32 s2, s18  }
0x8e: {  	[smem:$0x3FC5] =	sst s2  }
0x8f: {  	_ = 	snop  }
0x90: {  	s2 =	sld [smem:$0x3FC9]  }
0x91: {  	s19 =	sld [smem:$0x3FC8]  }
0x92: {  	s4 =	sld [smem:$0x3FC7]  }
0x93: {  	s5 =	sld [smem:$0x3FD0];
	(tm) =	ssettm $0x1  }
0x94: {  	s6 =	sld [smem:$0x3FFB];
	_ =	sdelay $0x3  }
0x95: {  	_ =	strace s6  }
0x96: {  	s6 =	sld [smem:$0x3FFC];
	_ =	sdelay $0x3  }
0x97: {  	_ =	strace s6  }
0x98: {  	s6 =	sld [smem:$0x3FFD];
	_ =	sdelay $0x3  }
0x99: {  	_ =	strace s6  }
0x9a: {  	_ =	strace $0x8FFFFFFF  }
0x9b: {  	s20 =	sld [smem:$0x3FDB];
	_ =	sdelay $0x1  }
0x9c: {  	s7 =	simm.s32 $_scs_section_size  }
0x9d: {  	s8 =	simm.s32 $_size__tile_overlayer_lowered;
	s9 =	simm.s32 $_tile_overlayer_lowered  }
0x9e: {  	s23 =	simm.s32 $0x1BFF;
	s22 =	sshll.u32 s9, $0x1;
	s6 =	sadd.s32 s7, s20  }
0x9f: {  	s10 =	simm.s32 $0x0;
	s21 =	sshll.u32 s8, $0x1;
	s8 =	sadd.s32 s22, s6  }
0xa0: {  	[timem:s10], [sflag:s23] =	dma.local [hbm:s8], s21  }
0xa1: {  	_ =	swait.ge [sflag:s23], s21  }
0xa2: {  	s7 =	ssub.s32 $0x0, s21;
	[sflag:s23] =	ssyncset.done $0x0  }
0xa3: {  	[sflag:s23] =	ssyncadd.s32 s7;
	_ =	sdelay $0x1  }
0xa4: {  	s24 =	simm.s32 $0x1B8B  }
0xa5: {  	_ =	swait.ge [sflag:s24], $0x1  }
0xa6: {  	[sflag:s24] =	ssyncset.done $0x0  }
0xa7: {  	s25 =	simm.s32 $0x1B8E;
	[sflag:s24] =	ssyncadd.s32 $0xFFFFFFFF  }
0xa8: {  	s26 =	simm.s32 $execute0_lowered;
	[smem:$0x3FD2] =	sst s25  }
0xa9: {  	s7 =	sshll.u32 s26, $0x1;
	_ =	strace $0x80000046;
	[dreg:$0x1] =	wrdreg $0xFFFFFFFF  }
0xaa: {  	s28 =	simm.s32 $_size_execute0_lowered;
	s6 =	sadd.s32 s6, s7;
	[dreg:$0x0] =	wrdreg $0x0  }
0xab: {  	s7 =	sshll.u32 s28, $0x1;
	[dreg:$0x2] =	wrdreg s6  }
0xac: {  	[dreg:$0x3] =	wrdreg s7  }
0xad: {  	[dreg:$0x4] =	wrdreg $0xC0  }
0xae: {  	_ =	task [dreg:s10], $0x5FFFF  }
0xaf: {  	[dreg:$0x1] =	wrdreg $0xFFFFFFFF  }
0xb0: {  	[dreg:$0x0] =	wrdreg $0x60  }
0xb1: {  	[dreg:$0x2] =	wrdreg s2  }
0xb2: {  	[dreg:$0x3] =	wrdreg s19  }
0xb3: {  	[dreg:$0x4] =	wrdreg s4  }
0xb4: {  	[dreg:$0x5] =	wrdreg s5  }
0xb5: {  	[dreg:$0x6] =	wrdreg $0x9  }
0xb6: {  	_ =	task.clear_ibuf [dreg:s10], $0x7FFFF;
	_ =	strace $0x90000046  }
0xb7: {  	s29 =	simm.s32 $0x9;
	_ =	strace $0x80000048  }
0xb8: {  	_ =	swait.ge [sflag:s29], $0x1  }
0xb9: {  	[sflag:s29] =	ssyncadd.s32 $0xFFFFFFFF  }
0xba: {  	_ =	strace $0x90000048  }
0xbb: {  	_ =	sfence  }
0xbc: {  	s30 =	sld [smem:$0x0];
	_ =	sdelay $0x2  }
0xbd: {  	s31 =	sshll.u32 s1, $0xD;
	s1 =	sshrl.u32 s1, $0x2  }
0xbe: {  	s3 =	sand.u32 $0x4000, s31;
	s1 =	sadd.s32 s1, s30  }
0xbf: {  	s0 =	sor.u32 s3, s0;
	s1 =	sshll.u32 s1, $0x11  }
0xc0: {  	s0 =	sor.u32 s1, s0  }
0xc1: {  	s0 =	sadd.s32 $0x8F2B, s0  }
0xc2: {  	[sflag:s0] =	ssyncadd.remote.s32 $0x1  }
0xc3: {  	_ =	sfence.sel $0xFFFF  }
0xc4: {  	[dreg:$0x0] =	wrdreg $0xFFFFFFFF;
	(pc) =	sbr.abs _section_cstart, $3  }
0xc5: {  	[dreg:$0x1] =	wrdreg $0xFFFFFFFF  }
0xc6: {  	_ =	task.clear_ibuf [dreg:s10], $0x2FFFF;
	_ =	strace $0x9FFFFFFF  }
0xc7: {  	(tm) =	ssettm $0x7FFFFFFF  }
tec
execute0_lowered:
.L_overlay_start_1:
0x0: {  	(tag) =	ssettag $0x1  }
0x1: {  	s1 =	rddreg [dreg:$0x0]  }
0x2: {  	s0 =	srdreg.scid;
	s5 =	rddreg [dreg:$0x1]  }
0x3: {  	s12 =	stileid.u32;
	s3 =	rddreg [dreg:$0x3]  }
0x4: {  	s4 =	simm.s32 $0x0;
	s0 =	sand.u32 $0x1, s0;
	s2 =	sshll.u32 s12, $0x1  }
0x5: {  	s7 =	simm.s32 $0x1;
	[smem:$0x7FF] =	sst s4;
	s6 =	sor.u32 s0, s2  }
0x6: {  	s17 =	smul.u32 $0x3D000, s12;
	p1 =	seq.s32 s0, $0x1;
	p0 =	seq.s32 s6, $0x0  }
0x7: {  	s2 =	rddreg [dreg:$0x2];
	s8 =	ssub.s32 $0x2, s0;
	p0 =	por !p0, !p1  }
0x8: {  	s10 =	sshll.u32 s0, $0x12;
	s15 =	smul.u32 $0x3D, s0;
	p0 =	por !p0, !p0  }
0x9: {  	_ =	strace $0x80000047;
	s0 =	smul.u32 $0x1E800, s0;
	s7 =	simm.s32 @!p0 $0x0  }
0xa: {  	s9 =	sshrl.u32 s8, $0x1;
	s6 =	smul.u32 $0xF4, s6;
	s7 =	ssub.s32 s12, s7  }
0xb: {  	s8 =	ssub.s32 s8, s9;
	s0 =	sadd.s32 s0, s17;
	s11 =	sshll.u32 s7, $0x13  }
0xc: {  	s1 =	sadd.s32 s1, s6;
	s23 =	sshll.u32 s7, $0xB;
	s22 =	sor.u32 s10, s11  }
0xd: {  	[dreg:$0x5] =	wrdreg s1;
	s1 =	sand.u32 $0x1FFFF800, s23;
	s24 =	sadd.s32 $0x80000, s22  }
0xe: {  	[dreg:$0x14] =	wrdreg s0;
	s1 =	sadd.s32 s5, s1;
	s9 =	sshrl.u32 s24, $0x3  }
0xf: {  	[dreg:$0x6] =	wrdreg s1;
	s10 =	sadd.s32 s3, s9  }
0x10: {  	s25 =	sadd.s32 $0x800, s10;
	[dreg:$0x7] =	wrdreg s10  }
0x11: {  	s30 =	simm.s32 $0x10000;
	s26 =	sadd.s32 $0x1000, s10;
	[dreg:$0x8] =	wrdreg s25  }
0x12: {  	s31 =	simm.s32 $0x17800;
	s13 =	sadd.s32 $0x1800, s10;
	[dreg:$0x9] =	wrdreg s26  }
0x13: {  	s29 =	simm.s32 $0x5;
	s14 =	sadd.s32 $0x2000, s10;
	[dreg:$0xa] =	wrdreg s13  }
0x14: {  	s28 =	smul.u32 $0x7A, s12;
	s9 =	sadd.s32 $0x2800, s10;
	[dreg:$0xb] =	wrdreg s14  }
0x15: {  	s6 =	sadd.s32 $0x100, s2;
	s16 =	sadd.s32 $0x3000, s10;
	[dreg:$0xc] =	wrdreg s9  }
0x16: {  	s0 =	simm.s32 $0x7;
	s18 =	sadd.s32 $0x3800, s10;
	[dreg:$0xd] =	wrdreg s16  }
0x17: {  	s12 =	simm.s32 $0x8000;
	s19 =	sadd.s32 $0x4000, s10;
	[dreg:$0xe] =	wrdreg s18  }
0x18: {  	s7 =	simm.s32 $0x1;
	s20 =	sadd.s32 $0x4800, s10;
	[dreg:$0xf] =	wrdreg s19  }
0x19: {  	s11 =	simm.s32 $0x17000;
	s21 =	sadd.s32 $0x5000, s10;
	[dreg:$0x10] =	wrdreg s20  }
0x1a: {  	s5 =	simm.s32 $0x6;
	s22 =	sadd.s32 $0x5800, s10;
	[dreg:$0x11] =	wrdreg s21  }
0x1b: {  	s1 =	simm.s32 $0x4;
	s23 =	sadd.s32 $0x6000, s10;
	[dreg:$0x12] =	wrdreg s22  }
0x1c: {  	s24 =	sadd.s32 $0x6800, s10;
	s21 =	sadd.s32 s15, s28;
	[dreg:$0x13] =	wrdreg s23  }
0x1d: {  	[dreg:$0x15] =	wrdreg s24;
	s25 =	smax.u32 s8, $0x1;
	s26 =	sadd.s32 $0x7000, s10  }
.Ltmp0:
0x1e: {  	s28 =	sadd.s32 $0x7800, s10;
	s20 =	simm.s32 $0xC000;
	(pc) =	sbr.rel .LBB2_1-.Ltmp0, $4  }
0x1f: {  	s22 =	simm.s32 $0x3;
	s24 =	simm.s32 $0x14000;
	s23 =	simm.s32 $0x16000  }
0x20: {  	v2 =	vlaneseq.u32;
	s9 =	simm.s32 $0x16800;
	s8 =	simm.s32 $0x9;
	[dreg:$0x16] =	wrdreg s25  }
0x21: {  	vm0 =	vmmov $0xffff;
	v1 =	vshrl.u32 v2, $0x3;
	s10 =	simm.s32 $0xA;
	s13 =	simm.s32 $0xB;
	[dreg:$0x17] =	wrdreg s26  }
0x22: {  	v0 =	vand.u32 $0x7, v2;
	v2 =	vor.u32 $0x8, v2;
	v1 =	vmul.u32 $0x8, v1;
	s14 =	simm.s32 $0xD;
	s16 =	simm.s32 $0x0;
	[dreg:$0x18] =	wrdreg s28  }
.LBB2_14:
0x23: {  	_ =	swait.ge [sflag:s0], $0x4000  }
0x24: {  	[sflag:s0] =	ssyncset.done $0x0  }
0x25: {  	s15 =	simm.s32 $0x8;
	[sflag:s0] =	ssyncadd.s32 $0xFFFFC000  }
0x26: {  	_ =	swait.ge [sflag:s15], $0x4000  }
0x27: {  	[sflag:s15] =	ssyncset.done $0x0  }
0x28: {  	[sflag:s15] =	ssyncadd.s32 $0xFFFFC000  }
0x29: {  	_ =	swait.ge [sflag:s8], $0x4000  }
0x2a: {  	[sflag:s8] =	ssyncset.done $0x0  }
0x2b: {  	[sflag:s8] =	ssyncadd.s32 $0xFFFFC000  }
0x2c: {  	_ =	swait.ge [sflag:s10], $0x4000  }
0x2d: {  	[sflag:s10] =	ssyncset.done $0x0  }
0x2e: {  	[sflag:s10] =	ssyncadd.s32 $0xFFFFC000  }
0x2f: {  	_ =	swait.ge [sflag:s13], $0x4000  }
0x30: {  	[sflag:s13] =	ssyncset.done $0x0  }
0x31: {  	s26 =	simm.s32 $0xC;
	[sflag:s13] =	ssyncadd.s32 $0xFFFFC000  }
0x32: {  	_ =	swait.ge [sflag:s26], $0x4000  }
0x33: {  	[sflag:s26] =	ssyncset.done $0x0  }
0x34: {  	[sflag:s26] =	ssyncadd.s32 $0xFFFFC000  }
0x35: {  	_ =	swait.ge [sflag:s14], $0x4000  }
0x36: {  	[sflag:s14] =	ssyncset.done $0x0  }
0x37: {  	[sflag:s14] =	ssyncadd.s32 $0xFFFFC000  }
0x38: {  	_ =	swait.ge [sflag:s14], $0x4000  }
0x39: {  	[sflag:s14] =	ssyncset.done $0x0  }
0x3a: {  	[sflag:s14] =	ssyncadd.s32 $0xFFFFC000  }
0x3b: {  	_ =	swait.ge [sflag:s14], $0x4000  }
0x3c: {  	[sflag:s14] =	ssyncset.done $0x0  }
0x3d: {  	[sflag:s14] =	ssyncadd.s32 $0xFFFFC000  }
0x3e: {  	_ =	swait.ge [sflag:s14], $0x4000  }
0x3f: {  	[sflag:s14] =	ssyncset.done $0x0  }
0x40: {  	[sflag:s14] =	ssyncadd.s32 $0xFFFFC000  }
0x41: {  	_ =	swait.ge [sflag:s14], $0x4000  }
0x42: {  	[sflag:s14] =	ssyncset.done $0x0  }
0x43: {  	[sflag:s14] =	ssyncadd.s32 $0xFFFFC000  }
0x44: {  	_ =	swait.ge [sflag:s14], $0x4000  }
0x45: {  	[sflag:s14] =	ssyncset.done $0x0  }
0x46: {  	[sflag:s14] =	ssyncadd.s32 $0xFFFFC000  }
0x47: {  	_ =	swait.ge [sflag:s14], $0x4000  }
0x48: {  	[sflag:s14] =	ssyncset.done $0x0  }
0x49: {  	[sflag:s14] =	ssyncadd.s32 $0xFFFFC000  }
0x4a: {  	_ =	swait.ge [sflag:s14], $0x4000  }
0x4b: {  	[sflag:s14] =	ssyncset.done $0x0  }
0x4c: {  	[sflag:s14] =	ssyncadd.s32 $0xFFFFC000  }
0x4d: {  	_ =	swait.ge [sflag:s14], $0x4000  }
0x4e: {  	[sflag:s14] =	ssyncset.done $0x0  }
0x4f: {  	[sflag:s14] =	ssyncadd.s32 $0xFFFFC000  }
0x50: {  	_ =	swait.ge [sflag:s14], $0x4000  }
0x51: {  	[sflag:s14] =	ssyncset.done $0x0  }
0x52: {  	[sflag:s14] =	ssyncadd.s32 $0xFFFFC000  }
0x53: {  	_ =	swait.ge [sflag:s14], $0x4000  }
0x54: {  	[sflag:s14] =	ssyncset.done $0x0  }
0x55: {  	[sflag:s14] =	ssyncadd.s32 $0xFFFFC000  }
0x56: {  	_ =	swait.ge [sflag:s14], $0x4000  }
0x57: {  	[sflag:s14] =	ssyncset.done $0x0  }
0x58: {  	[sflag:s14] =	ssyncadd.s32 $0xFFFFC000  }
0x59: {  	_ =	swait.ge [sflag:s14], $0x4000  }
0x5a: {  	[sflag:s14] =	ssyncset.done $0x0  }
0x5b: {  	[sflag:s14] =	ssyncadd.s32 $0xFFFFC000  }
0x5c: {  	_ =	swait.ge [sflag:s14], $0x4000  }
0x5d: {  	[sflag:s14] =	ssyncset.done $0x0  }
0x5e: {  	[sflag:s14] =	ssyncadd.s32 $0xFFFFC000  }
0x5f: {  	_ =	swait.ge [sflag:s14], $0x4000  }
0x60: {  	[sflag:s14] =	ssyncset.done $0x0  }
0x61: {  	[sflag:s14] =	ssyncadd.s32 $0xFFFFC000  }
0x62: {  	_ =	swait.ge [sflag:s14], $0x4000  }
0x63: {  	s16 =	rddreg [dreg:$0x19]  }
0x64: {  	s28 =	rddreg [dreg:$0x16];
	s16 =	sadd.s32 $0x1, s16  }
0x65: {  	p0 =	sne.s32 s16, s28  }
.Ltmp1:
0x66: {  	_ = 	snop;
	(pc) =	sbr.rel @!p0 .LBB2_15-.Ltmp1, $3  }
0x67: {  	_ =	sdelay $0x1  }
0x68: {  	[sflag:s14] =	ssyncset.done $0x0  }
0x69: {  	[sflag:s14] =	ssyncadd.s32 $0xFFFFC000  }
.LBB2_1:
0x6a: {  	[dreg:$0x19] =	wrdreg s16  }
0x6b: {  	s15 =	rddreg [dreg:$0x5];
	s25 =	simm.s32 $0x1C000;
	s16 =	simm.s32 $0xE  }
0x6c: {  	[tilespmem:s25], [sflag:$0xE] =	stream.linear.gather [hbm4b:s15+s4], $0x7A0, $0x38;
	[tilespmem:$0x1C800] =	vst v63  }
0x6d: {  	_ =	swait.ge [sflag:s16], $0x7A0  }
0x6e: {  	[sflag:s16] =	ssyncset.done $0x0  }
0x6f: {  	[sflag:s16] =	ssyncadd.s32 $0xFFFFF860  }
0x70: {  	v3 =	vld [tilespmem:$0x1C000];
	_ =	sdelay $0x4  }
0x71: {  	v4 =	vshll.u32 v3, $0x2  }
0x72: {  	v3 =	vand.u32 $0x7, v3;
	v4 =	vand.u32 $0xFFFFFFE0, v4  }
0x73: {  	v3 =	vor.u32 v3, v4  }
0x74: {  	v4 =	vperm.xlane v3, v0;
	_ =	sdelay $0x1  }
0x75: {  	v4 =	vadd.s32 v1, v4;
	_ =	sdelay $0x1  }
0x76: {  	v3 =	vperm.xlane v3, v2;
	_ =	sdelay $0x1  }
0x77: {  	v3 =	vadd.s32 v1, v3  }
0x78: {  	[tilespmem:s4], [sflag:$0x1] =	stream.indirect_vreg.gather [hbm4b:s2+s4], $0x80, v4, vm0, $0xb8;
	[tilespmem:$0x1C800] =	vst v63  }
0x79: {  	s26 =	simm.s32 $0x800  }
0x7a: {  	[tilespmem:s26], [sflag:$0x1] =	stream.indirect_vreg.gather [hbm4b:s6+s4], $0x80, v4, vm0, $0xb8;
	[tilespmem:$0x1C800] =	vst v63  }
0x7b: {  	s28 =	simm.s32 $0x1000  }
0x7c: {  	[tilespmem:s28], [sflag:$0x1] =	stream.indirect_vreg.gather [hbm4b:s2+s4], $0x80, v3, vm0, $0xb8;
	[tilespmem:$0x1C800] =	vst v63  }
0x7d: {  	s17 =	simm.s32 $0x1800  }
0x7e: {  	[tilespmem:s17], [sflag:$0x1] =	stream.indirect_vreg.gather [hbm4b:s6+s4], $0x80, v3, vm0, $0xb8;
	[tilespmem:$0x1C800] =	vst v63  }
0x7f: {  	v3 =	vld [tilespmem:$0x1C010];
	_ =	sdelay $0x4  }
0x80: {  	v61 =	vshll.u32 v3, $0x2  }
0x81: {  	v3 =	vand.u32 $0x7, v3;
	v4 =	vand.u32 $0xFFFFFFE0, v61  }
0x82: {  	v3 =	vor.u32 v3, v4  }
0x83: {  	v4 =	vperm.xlane v3, v0;
	_ =	sdelay $0x1  }
0x84: {  	v4 =	vadd.s32 v1, v4;
	_ =	sdelay $0x1  }
0x85: {  	v3 =	vperm.xlane v3, v2;
	_ =	sdelay $0x1  }
0x86: {  	s18 =	simm.s32 $0x2000;
	v3 =	vadd.s32 v1, v3  }
0x87: {  	[tilespmem:s18], [sflag:$0x1] =	stream.indirect_vreg.gather [hbm4b:s2+s4], $0x80, v4, vm0, $0xb8;
	[tilespmem:$0x1C800] =	vst v63  }
0x88: {  	s19 =	simm.s32 $0x2800  }
0x89: {  	[tilespmem:s19], [sflag:$0x1] =	stream.indirect_vreg.gather [hbm4b:s6+s4], $0x80, v4, vm0, $0xb8;
	[tilespmem:$0x1C800] =	vst v63  }
0x8a: {  	s25 =	simm.s32 $0x3000  }
0x8b: {  	[tilespmem:s25], [sflag:$0x1] =	stream.indirect_vreg.gather [hbm4b:s2+s4], $0x80, v3, vm0, $0xb8;
	[tilespmem:$0x1C800] =	vst v63  }
0x8c: {  	s26 =	simm.s32 $0x3800  }
0x8d: {  	[tilespmem:s26], [sflag:$0x1] =	stream.indirect_vreg.gather [hbm4b:s6+s4], $0x80, v3, vm0, $0xb8;
	[tilespmem:$0x1C800] =	vst v63  }
0x8e: {  	v3 =	vld [tilespmem:$0x1C020];
	_ =	sdelay $0x4  }
0x8f: {  	v62 =	vshll.u32 v3, $0x2  }
0x90: {  	v3 =	vand.u32 $0x7, v3;
	v4 =	vand.u32 $0xFFFFFFE0, v62  }
0x91: {  	v3 =	vor.u32 v3, v4  }
0x92: {  	v4 =	vperm.xlane v3, v0;
	_ =	sdelay $0x1  }
0x93: {  	v4 =	vadd.s32 v1, v4;
	_ =	sdelay $0x1  }
0x94: {  	v3 =	vperm.xlane v3, v2;
	_ =	sdelay $0x1  }
0x95: {  	s28 =	simm.s32 $0x4000;
	v3 =	vadd.s32 v1, v3  }
0x96: {  	[tilespmem:s28], [sflag:$0x2] =	stream.indirect_vreg.gather [hbm4b:s2+s4], $0x80, v4, vm0, $0xb8;
	[tilespmem:$0x1C800] =	vst v63  }
0x97: {  	s17 =	simm.s32 $0x4800  }
0x98: {  	[tilespmem:s17], [sflag:$0x2] =	stream.indirect_vreg.gather [hbm4b:s6+s4], $0x80, v4, vm0, $0xb8;
	[tilespmem:$0x1C800] =	vst v63  }
0x99: {  	s18 =	simm.s32 $0x5000  }
0x9a: {  	[tilespmem:s18], [sflag:$0x2] =	stream.indirect_vreg.gather [hbm4b:s2+s4], $0x80, v3, vm0, $0xb8;
	[tilespmem:$0x1C800] =	vst v63  }
0x9b: {  	s19 =	simm.s32 $0x5800  }
0x9c: {  	[tilespmem:s19], [sflag:$0x2] =	stream.indirect_vreg.gather [hbm4b:s6+s4], $0x80, v3, vm0, $0xb8;
	[tilespmem:$0x1C800] =	vst v63  }
0x9d: {  	v3 =	vld [tilespmem:$0x1C030];
	_ =	sdelay $0x4  }
0x9e: {  	v63 =	vshll.u32 v3, $0x2  }
0x9f: {  	v3 =	vand.u32 $0x7, v3;
	v4 =	vand.u32 $0xFFFFFFE0, v63  }
0xa0: {  	v3 =	vor.u32 v3, v4  }
0xa1: {  	v4 =	vperm.xlane v3, v0;
	_ =	sdelay $0x1  }
0xa2: {  	v4 =	vadd.s32 v1, v4;
	_ =	sdelay $0x1  }
0xa3: {  	v3 =	vperm.xlane v3, v2;
	_ =	sdelay $0x1  }
0xa4: {  	s25 =	simm.s32 $0x6000;
	v3 =	vadd.s32 v1, v3  }
0xa5: {  	[tilespmem:s25], [sflag:$0x2] =	stream.indirect_vreg.gather [hbm4b:s2+s4], $0x80, v4, vm0, $0xb8;
	[tilespmem:$0x1C800] =	vst v63  }
0xa6: {  	s26 =	simm.s32 $0x6800  }
0xa7: {  	[tilespmem:s26], [sflag:$0x2] =	stream.indirect_vreg.gather [hbm4b:s6+s4], $0x80, v4, vm0, $0xb8;
	[tilespmem:$0x1C800] =	vst v63  }
0xa8: {  	s28 =	simm.s32 $0x7000  }
0xa9: {  	[tilespmem:s28], [sflag:$0x2] =	stream.indirect_vreg.gather [hbm4b:s2+s4], $0x80, v3, vm0, $0xb8;
	[tilespmem:$0x1C800] =	vst v63  }
0xaa: {  	s17 =	simm.s32 $0x7800  }
0xab: {  	[tilespmem:s17], [sflag:$0x2] =	stream.indirect_vreg.gather [hbm4b:s6+s4], $0x80, v3, vm0, $0xb8;
	[tilespmem:$0x1C800] =	vst v63  }
0xac: {  	s18 =	rddreg [dreg:$0x6];
	s17 =	simm.s32 $0x18000  }
0xad: {  	[tilespmem:s17], [sflag:$0xE] =	stream.linear.gather [hbm4b:s18+s4], $0x4000, $0x38;
	[tilespmem:$0x1C800] =	vst v63  }
0xae: {  	_ =	swait.ge [sflag:s16], $0x4000  }
0xaf: {  	[sflag:s16] =	ssyncset.done $0x0  }
0xb0: {  	s19 =	rddreg [dreg:$0x7];
	[sflag:s16] =	ssyncadd.s32 $0xFFFFC000  }
0xb1: {  	[hbm4b:s19+s4] =	stream.linear.scatter [tilespmem:s17], [sflag:$0xD], $0x4000, $0x38;
	[tilespmem:$0x1C800] =	vst v63  }
0xb2: {  	s25 =	rddreg [dreg:$0x8]  }
0xb3: {  	[hbm4b:s25+s4] =	stream.linear.scatter [tilespmem:s17], [sflag:$0xD], $0x4000, $0x38;
	[tilespmem:$0x1C800] =	vst v63  }
0xb4: {  	s26 =	rddreg [dreg:$0x9]  }
0xb5: {  	[hbm4b:s26+s4] =	stream.linear.scatter [tilespmem:s17], [sflag:$0xD], $0x4000, $0x38;
	[tilespmem:$0x1C800] =	vst v63  }
0xb6: {  	s28 =	rddreg [dreg:$0xa]  }
0xb7: {  	[hbm4b:s28+s4] =	stream.linear.scatter [tilespmem:s17], [sflag:$0xD], $0x4000, $0x38;
	[tilespmem:$0x1C800] =	vst v63  }
0xb8: {  	s16 =	rddreg [dreg:$0xb]  }
0xb9: {  	[hbm4b:s16+s4] =	stream.linear.scatter [tilespmem:s17], [sflag:$0xD], $0x4000, $0x38;
	[tilespmem:$0x1C800] =	vst v63  }
0xba: {  	s18 =	rddreg [dreg:$0xc]  }
0xbb: {  	[hbm4b:s18+s4] =	stream.linear.scatter [tilespmem:s17], [sflag:$0xD], $0x4000, $0x38;
	[tilespmem:$0x1C800] =	vst v63  }
0xbc: {  	s19 =	rddreg [dreg:$0xd]  }
0xbd: {  	[hbm4b:s19+s4] =	stream.linear.scatter [tilespmem:s17], [sflag:$0xD], $0x4000, $0x38;
	[tilespmem:$0x1C800] =	vst v63  }
0xbe: {  	s25 =	rddreg [dreg:$0xe]  }
0xbf: {  	[hbm4b:s25+s4] =	stream.linear.scatter [tilespmem:s17], [sflag:$0xD], $0x4000, $0x38;
	[tilespmem:$0x1C800] =	vst v63  }
0xc0: {  	s26 =	rddreg [dreg:$0xf]  }
0xc1: {  	[hbm4b:s26+s4] =	stream.linear.scatter [tilespmem:s17], [sflag:$0xD], $0x4000, $0x38;
	[tilespmem:$0x1C800] =	vst v63  }
0xc2: {  	s28 =	rddreg [dreg:$0x10]  }
0xc3: {  	[hbm4b:s28+s4] =	stream.linear.scatter [tilespmem:s17], [sflag:$0xD], $0x4000, $0x38;
	[tilespmem:$0x1C800] =	vst v63  }
0xc4: {  	s16 =	rddreg [dreg:$0x11]  }
0xc5: {  	[hbm4b:s16+s4] =	stream.linear.scatter [tilespmem:s17], [sflag:$0xD], $0x4000, $0x38;
	[tilespmem:$0x1C800] =	vst v63  }
0xc6: {  	s18 =	rddreg [dreg:$0x12]  }
0xc7: {  	[hbm4b:s18+s4] =	stream.linear.scatter [tilespmem:s17], [sflag:$0xD], $0x4000, $0x38;
	[tilespmem:$0x1C800] =	vst v63  }
0xc8: {  	s19 =	rddreg [dreg:$0x13]  }
0xc9: {  	[hbm4b:s19+s4] =	stream.linear.scatter [tilespmem:s17], [sflag:$0xD], $0x4000, $0x38;
	[tilespmem:$0x1C800] =	vst v63  }
0xca: {  	s25 =	rddreg [dreg:$0x15]  }
0xcb: {  	[hbm4b:s25+s4] =	stream.linear.scatter [tilespmem:s17], [sflag:$0xD], $0x4000, $0x38;
	[tilespmem:$0x1C800] =	vst v63  }
.Ltmp2:
0xcc: {  	s26 =	rddreg [dreg:$0x17];
	(pc) =	sbr.rel .LBB2_2-.Ltmp2, $4  }
0xcd: {  	[hbm4b:s26+s4] =	stream.linear.scatter [tilespmem:s17], [sflag:$0xD], $0x4000, $0x38;
	[tilespmem:$0x1C800] =	vst v63  }
0xce: {  	s15 =	simm.s32 $0x1C080;
	s28 =	rddreg [dreg:$0x18]  }
0xcf: {  	[hbm4b:s28+s4] =	stream.linear.scatter [tilespmem:s17], [sflag:$0xD], $0x4000, $0x38;
	[tilespmem:$0x1C800] =	vst v63  }
0xd0: {  	s16 =	rddreg [dreg:$0x14];
	s18 =	simm.s32 $0x0;
	s17 =	simm.s32 $0x0  }
.LBB2_13:
0xd1: {  	v3 =	vld [tilespmem:s15+$0x0];
	_ =	sdelay $0x4  }
0xd2: {  	v4 =	vshll.u32 v3, $0x2  }
0xd3: {  	v3 =	vand.u32 $0x7, v3;
	v4 =	vand.u32 $0xFFFFFFE0, v4  }
0xd4: {  	v3 =	vor.u32 v3, v4  }
0xd5: {  	v4 =	vperm.xlane v3, v0;
	_ =	sdelay $0x1  }
0xd6: {  	v4 =	vadd.s32 v1, v4;
	_ =	sdelay $0x1  }
0xd7: {  	v3 =	vperm.xlane v3, v2;
	_ =	sdelay $0x1  }
0xd8: {  	v3 =	vadd.s32 v1, v3  }
0xd9: {  	[tilespmem:s30], [sflag:$0x5] =	stream.indirect_vreg.gather [hbm4b:s2+s4], $0x80, v4, vm0, $0xb8;
	[tilespmem:$0x1C800] =	vst v63  }
0xda: {  	s25 =	simm.s32 $0x10800  }
0xdb: {  	[tilespmem:s25], [sflag:$0x5] =	stream.indirect_vreg.gather [hbm4b:s6+s4], $0x80, v4, vm0, $0xb8;
	[tilespmem:$0x1C800] =	vst v63  }
0xdc: {  	s26 =	simm.s32 $0x11000  }
0xdd: {  	[tilespmem:s26], [sflag:$0x5] =	stream.indirect_vreg.gather [hbm4b:s2+s4], $0x80, v3, vm0, $0xb8;
	[tilespmem:$0x1C800] =	vst v63  }
0xde: {  	s28 =	simm.s32 $0x11800  }
0xdf: {  	[tilespmem:s28], [sflag:$0x5] =	stream.indirect_vreg.gather [hbm4b:s6+s4], $0x80, v3, vm0, $0xb8;
	[tilespmem:$0x1C800] =	vst v63  }
0xe0: {  	v3 =	vld [tilespmem:s15+$0x10];
	_ =	sdelay $0x4  }
0xe1: {  	v59 =	vshll.u32 v3, $0x2  }
0xe2: {  	v3 =	vand.u32 $0x7, v3;
	v4 =	vand.u32 $0xFFFFFFE0, v59  }
0xe3: {  	v3 =	vor.u32 v3, v4  }
0xe4: {  	v4 =	vperm.xlane v3, v0;
	_ =	sdelay $0x1  }
0xe5: {  	v4 =	vadd.s32 v1, v4;
	_ =	sdelay $0x1  }
0xe6: {  	v3 =	vperm.xlane v3, v2;
	_ =	sdelay $0x1  }
0xe7: {  	s26 =	simm.s32 $0x12000;
	v3 =	vadd.s32 v1, v3  }
0xe8: {  	[tilespmem:s26], [sflag:$0x5] =	stream.indirect_vreg.gather [hbm4b:s2+s4], $0x80, v4, vm0, $0xb8;
	[tilespmem:$0x1C800] =	vst v63  }
0xe9: {  	s28 =	simm.s32 $0x12800  }
0xea: {  	[tilespmem:s28], [sflag:$0x5] =	stream.indirect_vreg.gather [hbm4b:s6+s4], $0x80, v4, vm0, $0xb8;
	[tilespmem:$0x1C800] =	vst v63  }
0xeb: {  	s26 =	simm.s32 $0x13000  }
0xec: {  	[tilespmem:s26], [sflag:$0x5] =	stream.indirect_vreg.gather [hbm4b:s2+s4], $0x80, v3, vm0, $0xb8;
	[tilespmem:$0x1C800] =	vst v63  }
0xed: {  	s26 =	sadd.s32 $0x2, s19  }
0xee: {  	s28 =	simm.s32 $0x13800;
	s25 =	sshrl.u32 s26, $0x5  }
0xef: {  	[tilespmem:s28], [sflag:$0x5] =	stream.indirect_vreg.gather [hbm4b:s6+s4], $0x80, v3, vm0, $0xb8;
	[tilespmem:$0x1C800] =	vst v63  }
0xf0: {  	s26 =	sadd.s32 $0x1000, s16;
	p1 =	seq.s32 s25, $0x0;
	s25 =	sshll.u32 s25, $0x10  }
0xf1: {  	s26 =	sand.u32 $0xF800, s26;
	_ =	swait.ge [sflag:s22], $0x4000;
	s25 =	sadd.s32 $0x100000, s25  }
0xf2: {  	s26 =	sadd.s32 s3, s26;
	[sflag:s22] =	ssyncset.done $0x0;
	s25 =	simm.s32 @p1 $0x0  }
0xf3: {  	[sflag:s22] =	ssyncadd.s32 $0xFFFFC000;
	s25 =	sadd.s32 s25, s26  }
0xf4: {  	[hbm4b:s25+s4] =	stream.linear.scatter [tilespmem:s12], [sflag:$0x9], $0x4000, $0x38;
	[tilespmem:$0x1C800] =	vst v63  }
0xf5: {  	s25 =	simm.s32 @!p0 $0xC  }
0xf6: {  	_ =	swait.ge @!p0 [sflag:s25], $0x4000  }
0xf7: {  	[sflag:s25] =	ssyncset.done @!p0 $0x0  }
0xf8: {  	[sflag:s25] =	ssyncadd.s32 @!p0 $0xFFFFC000  }
0xf9: {  	v3 =	vld [tilespmem:s15+$0x20];
	_ =	sdelay $0x4  }
0xfa: {  	v60 =	vshll.u32 v3, $0x2  }
0xfb: {  	v3 =	vand.u32 $0x7, v3;
	v4 =	vand.u32 $0xFFFFFFE0, v60  }
0xfc: {  	v3 =	vor.u32 v3, v4  }
0xfd: {  	v4 =	vperm.xlane v3, v0;
	_ =	sdelay $0x1  }
0xfe: {  	v4 =	vadd.s32 v1, v4;
	_ =	sdelay $0x1  }
0xff: {  	v3 =	vperm.xlane v3, v2;
	_ =	sdelay $0x1  }
0x100: {  	v3 =	vadd.s32 v1, v3  }
0x101: {  	[tilespmem:s24], [sflag:$0x6] =	stream.indirect_vreg.gather [hbm4b:s2+s4], $0x80, v4, vm0, $0xb8;
	[tilespmem:$0x1C800] =	vst v63  }
0x102: {  	s28 =	simm.s32 $0x14800  }
0x103: {  	[tilespmem:s28], [sflag:$0x6] =	stream.indirect_vreg.gather [hbm4b:s6+s4], $0x80, v4, vm0, $0xb8;
	[tilespmem:$0x1C800] =	vst v63  }
0x104: {  	s26 =	simm.s32 $0x15000  }
0x105: {  	[tilespmem:s26], [sflag:$0x6] =	stream.indirect_vreg.gather [hbm4b:s2+s4], $0x80, v3, vm0, $0xb8;
	[tilespmem:$0x1C800] =	vst v63  }
0x106: {  	s28 =	simm.s32 $0x15800  }
0x107: {  	[tilespmem:s28], [sflag:$0x6] =	stream.indirect_vreg.gather [hbm4b:s6+s4], $0x80, v3, vm0, $0xb8;
	[tilespmem:$0x1C800] =	vst v63  }
0x108: {  	v3 =	vld [tilespmem:s15+$0x30];
	_ =	sdelay $0x4  }
0x109: {  	v61 =	vshll.u32 v3, $0x2  }
0x10a: {  	v3 =	vand.u32 $0x7, v3;
	v4 =	vand.u32 $0xFFFFFFE0, v61  }
0x10b: {  	v3 =	vor.u32 v3, v4  }
0x10c: {  	v4 =	vperm.xlane v3, v0;
	_ =	sdelay $0x1  }
0x10d: {  	v4 =	vadd.s32 v1, v4;
	_ =	sdelay $0x1  }
0x10e: {  	v3 =	vperm.xlane v3, v2;
	_ =	sdelay $0x1  }
0x10f: {  	v3 =	vadd.s32 v1, v3  }
0x110: {  	[tilespmem:s23], [sflag:$0x6] =	stream.indirect_vreg.gather [hbm4b:s2+s4], $0x80, v4, vm0, $0xb8;
	[tilespmem:$0x1C800] =	vst v63  }
0x111: {  	s26 =	sadd.s32 $0x3, s19  }
0x112: {  	[tilespmem:s9], [sflag:$0x6] =	stream.indirect_vreg.gather [hbm4b:s6+s4], $0x80, v4, vm0, $0xb8;
	[tilespmem:$0x1C800] =	vst v63  }
0x113: {  	s25 =	sshrl.u32 s26, $0x5  }
0x114: {  	[tilespmem:s11], [sflag:$0x6] =	stream.indirect_vreg.gather [hbm4b:s2+s4], $0x80, v3, vm0, $0xb8;
	[tilespmem:$0x1C800] =	vst v63  }
0x115: {  	p0 =	seq.s32 s25, $0x0;
	s25 =	sshll.u32 s25, $0x10;
	s28 =	sadd.s32 $0x1800, s16  }
0x116: {  	[tilespmem:s31], [sflag:$0x6] =	stream.indirect_vreg.gather [hbm4b:s6+s4], $0x80, v3, vm0, $0xb8;
	[tilespmem:$0x1C800] =	vst v63  }
0x117: {  	s25 =	sadd.s32 $0x100000, s25;
	s26 =	sand.u32 $0xF800, s28;
	_ =	swait.ge [sflag:s1], $0x4000  }
0x118: {  	s25 =	simm.s32 @p0 $0x0;
	s26 =	sadd.s32 s3, s26;
	[sflag:s1] =	ssyncset.done $0x0  }
0x119: {  	s25 =	sadd.s32 s25, s26;
	[sflag:s1] =	ssyncadd.s32 $0xFFFFC000  }
0x11a: {  	[hbm4b:s25+s4] =	stream.linear.scatter [tilespmem:s20], [sflag:$0xA], $0x4000, $0x38;
	[tilespmem:$0x1C800] =	vst v63  }
0x11b: {  	_ =	swait.ge [sflag:s0], $0x4000  }
0x11c: {  	[sflag:s0] =	ssyncset.done $0x0  }
0x11d: {  	[sflag:s0] =	ssyncadd.s32 $0xFFFFC000  }
0x11e: {  	v3 =	vld [tilespmem:s15+$0x40];
	_ =	sdelay $0x4  }
0x11f: {  	v62 =	vshll.u32 v3, $0x2  }
0x120: {  	v3 =	vand.u32 $0x7, v3;
	v4 =	vand.u32 $0xFFFFFFE0, v62  }
0x121: {  	v3 =	vor.u32 v3, v4  }
0x122: {  	v4 =	vperm.xlane v3, v0;
	_ =	sdelay $0x1  }
0x123: {  	v4 =	vadd.s32 v1, v4;
	_ =	sdelay $0x1  }
0x124: {  	v3 =	vperm.xlane v3, v2;
	_ =	sdelay $0x1  }
0x125: {  	v3 =	vadd.s32 v1, v3  }
0x126: {  	[tilespmem:s4], [sflag:$0x1] =	stream.indirect_vreg.gather [hbm4b:s2+s4], $0x80, v4, vm0, $0xb8;
	[tilespmem:$0x1C800] =	vst v63  }
0x127: {  	s28 =	simm.s32 $0x800  }
0x128: {  	[tilespmem:s28], [sflag:$0x1] =	stream.indirect_vreg.gather [hbm4b:s6+s4], $0x80, v4, vm0, $0xb8;
	[tilespmem:$0x1C800] =	vst v63  }
0x129: {  	s26 =	simm.s32 $0x1000  }
0x12a: {  	[tilespmem:s26], [sflag:$0x1] =	stream.indirect_vreg.gather [hbm4b:s2+s4], $0x80, v3, vm0, $0xb8;
	[tilespmem:$0x1C800] =	vst v63  }
0x12b: {  	s28 =	simm.s32 $0x1800  }
0x12c: {  	[tilespmem:s28], [sflag:$0x1] =	stream.indirect_vreg.gather [hbm4b:s6+s4], $0x80, v3, vm0, $0xb8;
	[tilespmem:$0x1C800] =	vst v63  }
0x12d: {  	v3 =	vld [tilespmem:s15+$0x50];
	_ =	sdelay $0x4  }
0x12e: {  	v63 =	vshll.u32 v3, $0x2  }
0x12f: {  	v3 =	vand.u32 $0x7, v3;
	v4 =	vand.u32 $0xFFFFFFE0, v63  }
0x130: {  	v3 =	vor.u32 v3, v4  }
0x131: {  	v4 =	vperm.xlane v3, v0;
	_ =	sdelay $0x1  }
0x132: {  	v4 =	vadd.s32 v1, v4;
	_ =	sdelay $0x1  }
0x133: {  	v3 =	vperm.xlane v3, v2;
	_ =	sdelay $0x1  }
0x134: {  	s26 =	simm.s32 $0x2000;
	v3 =	vadd.s32 v1, v3  }
0x135: {  	[tilespmem:s26], [sflag:$0x1] =	stream.indirect_vreg.gather [hbm4b:s2+s4], $0x80, v4, vm0, $0xb8;
	[tilespmem:$0x1C800] =	vst v63  }
0x136: {  	s28 =	simm.s32 $0x2800  }
0x137: {  	[tilespmem:s28], [sflag:$0x1] =	stream.indirect_vreg.gather [hbm4b:s6+s4], $0x80, v4, vm0, $0xb8;
	[tilespmem:$0x1C800] =	vst v63  }
0x138: {  	s26 =	simm.s32 $0x3000  }
0x139: {  	[tilespmem:s26], [sflag:$0x1] =	stream.indirect_vreg.gather [hbm4b:s2+s4], $0x80, v3, vm0, $0xb8;
	[tilespmem:$0x1C800] =	vst v63  }
0x13a: {  	s26 =	sadd.s32 $0x4, s19  }
0x13b: {  	s28 =	simm.s32 $0x3800;
	s25 =	sshrl.u32 s26, $0x5  }
0x13c: {  	[tilespmem:s28], [sflag:$0x1] =	stream.indirect_vreg.gather [hbm4b:s6+s4], $0x80, v3, vm0, $0xb8;
	[tilespmem:$0x1C800] =	vst v63  }
0x13d: {  	p0 =	seq.s32 s25, $0x0;
	s25 =	sshll.u32 s25, $0x10;
	s28 =	sadd.s32 $0x2000, s16  }
0x13e: {  	_ =	swait.ge [sflag:s29], $0x4000;
	s25 =	sadd.s32 $0x100000, s25;
	s26 =	sand.u32 $0xF800, s28  }
0x13f: {  	[sflag:s29] =	ssyncset.done $0x0;
	s25 =	simm.s32 @p0 $0x0;
	s26 =	sadd.s32 s3, s26  }
0x140: {  	p0 =	sgt.u32 s18, $0x8;
	[sflag:s29] =	ssyncadd.s32 $0xFFFFC000;
	s25 =	sadd.s32 s25, s26  }
0x141: {  	[hbm4b:s25+s4] =	stream.linear.scatter [tilespmem:s30], [sflag:$0xB], $0x4000, $0x38;
	[tilespmem:$0x1C800] =	vst v63  }
0x142: {  	s25 =	simm.s32 @!p0 $0x8  }
0x143: {  	_ =	swait.ge @!p0 [sflag:s25], $0x4000  }
0x144: {  	[sflag:s25] =	ssyncset.done @!p0 $0x0  }
0x145: {  	[sflag:s25] =	ssyncadd.s32 @!p0 $0xFFFFC000  }
0x146: {  	v3 =	vld @!p0 [tilespmem:s15+$0x60];
	_ =	sdelay $0x4  }
0x147: {  	v4 =	vshll.u32 @!p0 v3, $0x2  }
0x148: {  	v5 =	vlaneseq.u32 @!p0;
	v3 =	vand.u32 @!p0 $0x7, v3;
	v4 =	vand.u32 @!p0 $0xFFFFFFE0, v4  }
0x149: {  	v6 =	vshrl.u32 @!p0 v5, $0x3;
	v3 =	vor.u32 @!p0 v3, v4;
	v4 =	vand.u32 @!p0 $0x7, v5  }
0x14a: {  	v6 =	vmul.u32 @!p0 $0x8, v6;
	v7 =	vperm.xlane @!p0 v3, v4;
	_ =	sdelay $0x1  }
0x14b: {  	v7 =	vadd.s32 @!p0 v6, v7  }
0x14c: {  	v5 =	vor.u32 @!p0 $0x8, v5  }
0x14d: {  	v3 =	vperm.xlane @!p0 v3, v5;
	_ =	sdelay $0x1  }
0x14e: {  	vm1 =	vmmov @!p0 $0xffff;
	s26 =	simm.s32 @!p0 $0x4000;
	s25 =	simm.s32 @!p0 $0x0;
	v3 =	vadd.s32 @!p0 v6, v3  }
0x14f: {  	[tilespmem:s26], [sflag:$0x2] =	stream.indirect_vreg.gather @!p0 [hbm4b:s2+s25], $0x80, v7, vm1, $0xb8;
	[tilespmem:$0x1C800] =	vst v63  }
0x150: {  	s26 =	simm.s32 @!p0 $0x4800  }
0x151: {  	[tilespmem:s26], [sflag:$0x2] =	stream.indirect_vreg.gather @!p0 [hbm4b:s6+s25], $0x80, v7, vm1, $0xb8;
	[tilespmem:$0x1C800] =	vst v63  }
0x152: {  	s26 =	simm.s32 @!p0 $0x5000  }
0x153: {  	[tilespmem:s26], [sflag:$0x2] =	stream.indirect_vreg.gather @!p0 [hbm4b:s2+s25], $0x80, v3, vm1, $0xb8;
	[tilespmem:$0x1C800] =	vst v63  }
0x154: {  	s26 =	simm.s32 @!p0 $0x5800  }
0x155: {  	[tilespmem:s26], [sflag:$0x2] =	stream.indirect_vreg.gather @!p0 [hbm4b:s6+s25], $0x80, v3, vm1, $0xb8;
	[tilespmem:$0x1C800] =	vst v63  }
0x156: {  	v3 =	vld @!p0 [tilespmem:s15+$0x70];
	_ =	sdelay $0x4  }
0x157: {  	v7 =	vshll.u32 @!p0 v3, $0x2  }
0x158: {  	v3 =	vand.u32 @!p0 $0x7, v3;
	v7 =	vand.u32 @!p0 $0xFFFFFFE0, v7  }
0x159: {  	v3 =	vor.u32 @!p0 v3, v7  }
0x15a: {  	v4 =	vperm.xlane @!p0 v3, v4;
	_ =	sdelay $0x1  }
0x15b: {  	v4 =	vadd.s32 @!p0 v6, v4;
	_ =	sdelay $0x1  }
0x15c: {  	v3 =	vperm.xlane @!p0 v3, v5;
	_ =	sdelay $0x1  }
0x15d: {  	s26 =	simm.s32 @!p0 $0x6000;
	v3 =	vadd.s32 @!p0 v6, v3  }
0x15e: {  	[tilespmem:s26], [sflag:$0x2] =	stream.indirect_vreg.gather @!p0 [hbm4b:s2+s25], $0x80, v4, vm1, $0xb8;
	[tilespmem:$0x1C800] =	vst v63  }
0x15f: {  	s26 =	simm.s32 @!p0 $0x6800  }
0x160: {  	[tilespmem:s26], [sflag:$0x2] =	stream.indirect_vreg.gather @!p0 [hbm4b:s6+s25], $0x80, v4, vm1, $0xb8;
	[tilespmem:$0x1C800] =	vst v63  }
0x161: {  	s26 =	simm.s32 @!p0 $0x7000  }
0x162: {  	[tilespmem:s26], [sflag:$0x2] =	stream.indirect_vreg.gather @!p0 [hbm4b:s2+s25], $0x80, v3, vm1, $0xb8;
	[tilespmem:$0x1C800] =	vst v63  }
0x163: {  	s26 =	simm.s32 @!p0 $0x7800  }
0x164: {  	[tilespmem:s26], [sflag:$0x2] =	stream.indirect_vreg.gather @!p0 [hbm4b:s6+s25], $0x80, v3, vm1, $0xb8;
	[tilespmem:$0x1C800] =	vst v63  }
0x165: {  	s26 =	sadd.s32 $0x5, s19  }
0x166: {  	s19 =	sshrl.u32 s26, $0x5  }
0x167: {  	p0 =	seq.s32 s19, $0x0;
	s19 =	sshll.u32 s19, $0x10  }
0x168: {  	s17 =	sadd.s32 $0x6, s17;
	s19 =	sadd.s32 $0x100000, s19  }
0x169: {  	s19 =	simm.s32 @p0 $0x0;
	p0 =	sne.s32 s17, $0x42  }
.Ltmp3:
0x16a: {  	s28 =	sadd.s32 $0x2800, s16;
	(pc) =	sbr.rel @!p0 .LBB2_14-.Ltmp3, $4  }
0x16b: {  	s16 =	sadd.s32 $0x3000, s16;
	s25 =	sand.u32 $0xF800, s28;
	_ =	swait.ge [sflag:s5], $0x4000  }
0x16c: {  	s18 =	sadd.s32 $0x1, s18;
	s25 =	sadd.s32 s3, s25;
	[sflag:s5] =	ssyncset.done $0x0  }
0x16d: {  	s15 =	sadd.s32 $0xC0, s15;
	[sflag:s5] =	ssyncadd.s32 $0xFFFFC000;
	s19 =	sadd.s32 s19, s25  }
0x16e: {  	[hbm4b:s19+s4] =	stream.linear.scatter [tilespmem:s24], [sflag:$0xC], $0x4000, $0x38;
	[tilespmem:$0x1C800] =	vst v63  }
.LBB2_2:
0x16f: {  	p0 =	seq.s32 s17, $0x0  }
.Ltmp4:
0x170: {  	_ = 	snop;
	(pc) =	sbr.rel @p0 .LBB2_5-.Ltmp4, $1  }
0x171: {  	_ =	sdelay $0x3  }
0x172: {  	p1 =	seq.s32 s17, $0x3C  }
.Ltmp5:
0x173: {  	_ = 	snop;
	(pc) =	sbr.rel @p1 .LBB2_6-.Ltmp5, $1  }
0x174: {  	_ =	sdelay $0x3  }
0x175: {  	_ =	swait.ge [sflag:s8], $0x4000  }
0x176: {  	[sflag:s8] =	ssyncset.done $0x0  }
0x177: {  	[sflag:s8] =	ssyncadd.s32 $0xFFFFC000  }
.LBB2_5:
0x178: {  	v3 =	vld [tilespmem:s15+$0xFFFFFFC0];
	_ =	sdelay $0x4  }
0x179: {  	v4 =	vshll.u32 v3, $0x2  }
0x17a: {  	v3 =	vand.u32 $0x7, v3;
	v4 =	vand.u32 $0xFFFFFFE0, v4  }
0x17b: {  	v3 =	vor.u32 v3, v4  }
0x17c: {  	v4 =	vperm.xlane v3, v0;
	_ =	sdelay $0x1  }
0x17d: {  	v4 =	vadd.s32 v1, v4;
	_ =	sdelay $0x1  }
0x17e: {  	v3 =	vperm.xlane v3, v2;
	_ =	sdelay $0x1  }
0x17f: {  	v3 =	vadd.s32 v1, v3  }
0x180: {  	[tilespmem:s12], [sflag:$0x3] =	stream.indirect_vreg.gather [hbm4b:s2+s4], $0x80, v4, vm0, $0xb8;
	[tilespmem:$0x1C800] =	vst v63  }
0x181: {  	s19 =	simm.s32 $0x8800  }
0x182: {  	[tilespmem:s19], [sflag:$0x3] =	stream.indirect_vreg.gather [hbm4b:s6+s4], $0x80, v4, vm0, $0xb8;
	[tilespmem:$0x1C800] =	vst v63  }
0x183: {  	s25 =	simm.s32 $0x9000  }
0x184: {  	[tilespmem:s25], [sflag:$0x3] =	stream.indirect_vreg.gather [hbm4b:s2+s4], $0x80, v3, vm0, $0xb8;
	[tilespmem:$0x1C800] =	vst v63  }
0x185: {  	s26 =	simm.s32 $0x9800  }
0x186: {  	[tilespmem:s26], [sflag:$0x3] =	stream.indirect_vreg.gather [hbm4b:s6+s4], $0x80, v3, vm0, $0xb8;
	[tilespmem:$0x1C800] =	vst v63  }
0x187: {  	v3 =	vld [tilespmem:s15+$0xFFFFFFD0];
	_ =	sdelay $0x4  }
0x188: {  	v63 =	vshll.u32 v3, $0x2  }
0x189: {  	v3 =	vand.u32 $0x7, v3;
	v4 =	vand.u32 $0xFFFFFFE0, v63  }
0x18a: {  	v3 =	vor.u32 v3, v4  }
0x18b: {  	v4 =	vperm.xlane v3, v0;
	_ =	sdelay $0x1  }
0x18c: {  	v4 =	vadd.s32 v1, v4;
	_ =	sdelay $0x1  }
0x18d: {  	v3 =	vperm.xlane v3, v2;
	_ =	sdelay $0x1  }
0x18e: {  	s28 =	simm.s32 $0xA000;
	v3 =	vadd.s32 v1, v3  }
0x18f: {  	[tilespmem:s28], [sflag:$0x3] =	stream.indirect_vreg.gather [hbm4b:s2+s4], $0x80, v4, vm0, $0xb8;
	[tilespmem:$0x1C800] =	vst v63  }
0x190: {  	s25 =	simm.s32 $0xA800  }
0x191: {  	[tilespmem:s25], [sflag:$0x3] =	stream.indirect_vreg.gather [hbm4b:s6+s4], $0x80, v4, vm0, $0xb8;
	[tilespmem:$0x1C800] =	vst v63  }
0x192: {  	s26 =	simm.s32 $0xB000  }
0x193: {  	[tilespmem:s26], [sflag:$0x3] =	stream.indirect_vreg.gather [hbm4b:s2+s4], $0x80, v3, vm0, $0xb8;
	[tilespmem:$0x1C800] =	vst v63  }
0x194: {  	s28 =	simm.s32 $0xB800  }
0x195: {  	[tilespmem:s28], [sflag:$0x3] =	stream.indirect_vreg.gather [hbm4b:s6+s4], $0x80, v3, vm0, $0xb8;
	[tilespmem:$0x1C800] =	vst v63  }
.LBB2_6:
0x196: {  	s19 =	sadd.s32 s17, s21  }
0x197: {  	s25 =	sshrl.u32 s19, $0x5  }
.Ltmp6:
0x198: {  	_ =	swait.ge [sflag:s7], $0x4000;
	s26 =	sshll.u32 s25, $0x10;
	(pc) =	sbr.rel @p0 .LBB2_9-.Ltmp6, $4  }
0x199: {  	s28 =	sand.u32 $0xF800, s16;
	p1 =	seq.s32 s25, $0x0;
	s25 =	sadd.s32 $0x100000, s26  }
0x19a: {  	[sflag:s7] =	ssyncset.done $0x0;
	s26 =	sadd.s32 s3, s28;
	s25 =	simm.s32 @p1 $0x0  }
0x19b: {  	[sflag:s7] =	ssyncadd.s32 $0xFFFFC000;
	s25 =	sadd.s32 s25, s26  }
0x19c: {  	[hbm4b:s25+s4] =	stream.linear.scatter [tilespmem:s4], [sflag:$0x7], $0x4000, $0x38;
	[tilespmem:$0x1C800] =	vst v63  }
0x19d: {  	p1 =	seq.s32 s17, $0x3C  }
.Ltmp7:
0x19e: {  	_ = 	snop;
	(pc) =	sbr.rel @p1 .LBB2_10-.Ltmp7, $1  }
0x19f: {  	_ =	sdelay $0x3  }
0x1a0: {  	_ =	swait.ge [sflag:s10], $0x4000  }
0x1a1: {  	[sflag:s10] =	ssyncset.done $0x0  }
0x1a2: {  	[sflag:s10] =	ssyncadd.s32 $0xFFFFC000  }
.LBB2_9:
0x1a3: {  	v3 =	vld [tilespmem:s15+$0xFFFFFFE0];
	_ =	sdelay $0x4  }
0x1a4: {  	v4 =	vshll.u32 v3, $0x2  }
0x1a5: {  	v3 =	vand.u32 $0x7, v3;
	v4 =	vand.u32 $0xFFFFFFE0, v4  }
0x1a6: {  	v3 =	vor.u32 v3, v4  }
0x1a7: {  	v4 =	vperm.xlane v3, v0;
	_ =	sdelay $0x1  }
0x1a8: {  	v4 =	vadd.s32 v1, v4;
	_ =	sdelay $0x1  }
0x1a9: {  	v3 =	vperm.xlane v3, v2;
	_ =	sdelay $0x1  }
0x1aa: {  	v3 =	vadd.s32 v1, v3  }
0x1ab: {  	[tilespmem:s20], [sflag:$0x4] =	stream.indirect_vreg.gather [hbm4b:s2+s4], $0x80, v4, vm0, $0xb8;
	[tilespmem:$0x1C800] =	vst v63  }
0x1ac: {  	s25 =	simm.s32 $0xC800  }
0x1ad: {  	[tilespmem:s25], [sflag:$0x4] =	stream.indirect_vreg.gather [hbm4b:s6+s4], $0x80, v4, vm0, $0xb8;
	[tilespmem:$0x1C800] =	vst v63  }
0x1ae: {  	s26 =	simm.s32 $0xD000  }
0x1af: {  	[tilespmem:s26], [sflag:$0x4] =	stream.indirect_vreg.gather [hbm4b:s2+s4], $0x80, v3, vm0, $0xb8;
	[tilespmem:$0x1C800] =	vst v63  }
0x1b0: {  	s28 =	simm.s32 $0xD800  }
0x1b1: {  	[tilespmem:s28], [sflag:$0x4] =	stream.indirect_vreg.gather [hbm4b:s6+s4], $0x80, v3, vm0, $0xb8;
	[tilespmem:$0x1C800] =	vst v63  }
0x1b2: {  	v3 =	vld [tilespmem:s15+$0xFFFFFFF0];
	_ =	sdelay $0x4  }
0x1b3: {  	v63 =	vshll.u32 v3, $0x2  }
0x1b4: {  	v3 =	vand.u32 $0x7, v3;
	v4 =	vand.u32 $0xFFFFFFE0, v63  }
0x1b5: {  	v3 =	vor.u32 v3, v4  }
0x1b6: {  	v4 =	vperm.xlane v3, v0;
	_ =	sdelay $0x1  }
0x1b7: {  	v4 =	vadd.s32 v1, v4;
	_ =	sdelay $0x1  }
0x1b8: {  	v3 =	vperm.xlane v3, v2;
	_ =	sdelay $0x1  }
0x1b9: {  	s26 =	simm.s32 $0xE000;
	v3 =	vadd.s32 v1, v3  }
0x1ba: {  	[tilespmem:s26], [sflag:$0x4] =	stream.indirect_vreg.gather [hbm4b:s2+s4], $0x80, v4, vm0, $0xb8;
	[tilespmem:$0x1C800] =	vst v63  }
0x1bb: {  	s28 =	simm.s32 $0xE800  }
0x1bc: {  	[tilespmem:s28], [sflag:$0x4] =	stream.indirect_vreg.gather [hbm4b:s6+s4], $0x80, v4, vm0, $0xb8;
	[tilespmem:$0x1C800] =	vst v63  }
0x1bd: {  	s26 =	simm.s32 $0xF000  }
0x1be: {  	[tilespmem:s26], [sflag:$0x4] =	stream.indirect_vreg.gather [hbm4b:s2+s4], $0x80, v3, vm0, $0xb8;
	[tilespmem:$0x1C800] =	vst v63  }
0x1bf: {  	s28 =	simm.s32 $0xF800  }
0x1c0: {  	[tilespmem:s28], [sflag:$0x4] =	stream.indirect_vreg.gather [hbm4b:s6+s4], $0x80, v3, vm0, $0xb8;
	[tilespmem:$0x1C800] =	vst v63  }
.LBB2_10:
0x1c1: {  	s25 =	sadd.s32 $0x1, s17  }
0x1c2: {  	p1 =	sgt.u32 s25, $0x3C  }
0x1c3: {  	s26 =	sadd.s32 @!p1 s17, s21  }
0x1c4: {  	s25 =	simm.s32 @!p1 $0x2;
	s28 =	sadd.s32 @!p1 $0x800, s16;
	s26 =	sadd.s32 @!p1 $0x1, s26  }
0x1c5: {  	_ =	swait.ge @!p1 [sflag:s25], $0x4000;
	s28 =	sand.u32 @!p1 $0xF800, s28;
	s26 =	sshrl.u32 @!p1 s26, $0x5  }
.Ltmp8:
0x1c6: {  	p2 =	seq.s32 @!p1 s26, $0x0;
	s26 =	sshll.u32 @!p1 s26, $0x10;
	(pc) =	sbr.rel @p0 .LBB2_13-.Ltmp8, $4  }
0x1c7: {  	[sflag:s25] =	ssyncset.done @!p1 $0x0;
	s26 =	sadd.s32 @!p1 $0x100000, s26;
	p2 =	por !p2, p1  }
0x1c8: {  	[sflag:s25] =	ssyncadd.s32 @!p1 $0xFFFFC000;
	s25 =	sadd.s32 @!p1 s3, s28;
	s26 =	simm.s32 @!p2 $0x0  }
0x1c9: {  	s28 =	simm.s32 @!p1 $0x4000;
	s25 =	sadd.s32 @!p1 s26, s25;
	s26 =	simm.s32 @!p1 $0x0  }
0x1ca: {  	[hbm4b:s25+s26] =	stream.linear.scatter @!p1 [tilespmem:s28], [sflag:$0x8], $0x4000, $0x38;
	[tilespmem:$0x1C800] =	vst v63  }
0x1cb: {  	p1 =	seq.s32 s17, $0x3C  }
.Ltmp9:
0x1cc: {  	_ = 	snop;
	(pc) =	sbr.rel @p1 .LBB2_14-.Ltmp9, $1  }
0x1cd: {  	_ =	sdelay $0x3  }
.Ltmp10:
0x1ce: {  	(pc) =	sbr.rel .LBB2_13-.Ltmp10, $4  }
0x1cf: {  	_ = 	snop  }
0x1d0: {  	_ =	swait.ge [sflag:s13], $0x4000  }
0x1d1: {  	[sflag:s13] =	ssyncset.done $0x0  }
0x1d2: {  	[sflag:s13] =	ssyncadd.s32 $0xFFFFC000  }
.LBB2_15:
0x1d3: {  	_ =	sfence.sel $0x180000  }
0x1d4: {  	[bflag:$0x0] =	sbarrier.arrive $0xFFFF  }
0x1d5: {  	_ =	strace $0x90000047  }
0x1d6: {  	s0 =	stileid.u32;
	[bflag:$0x2] =	sbarrier.arrive $0xFFFF  }
0x1d7: {  	p0 =	sne.s32 s0, $0x0;
	s0 =	rddreg [dreg:$0x4]  }
0x1d8: {  	s0 =	sadd.s32 @!p0 $0x100000, s0  }
0x1d9: {  	[sflag:s0] =	ssyncadd.tile.s32 @!p0 $0x1;
	_ =	shalt  }
.Lfunc_end2:
_tile_overlayer_lowered:
.L_overlay_start_2:
0x1da: {  	(tag) =	ssettag $0x2  }
0x1db: {  	s0 =	rddreg [dreg:$0x0];
	s2 =	stileid.u32  }
0x1dc: {  	s1 =	rddreg [dreg:$0x1];
	p0 =	sne.s32 s2, $0x0  }
0x1dd: {  	s3 =	rddreg [dreg:$0x2];
	[bflag:$0x3] =	sbarrier.arrive $0xFFFF;
	s2 =	simm.s32 @!p0 $0x1C0E  }
0x1de: {  	[timem:s3], [sflag:s2] =	dma.local @!p0 [hbm:s0], s1  }
0x1df: {  	s0 =	simm.s32 @!p0 $0xE  }
0x1e0: {  	_ =	swait.ge @!p0 [sflag:s0], s1  }
0x1e1: {  	s1 =	ssub.s32 @!p0 $0x0, s1;
	[sflag:s0] =	ssyncset.done @!p0 $0x0  }
0x1e2: {  	[sflag:s0] =	ssyncadd.s32 @!p0 s1  }
0x1e3: {  	[bflag:$0x3] =	sbarrier.arrive $0xFFFF  }
0x1e4: {  	_ =	shalt  }

</sc_bundles>
